<compile_context>
chip_gen: v7x
topology: tpu7x:2x2x1
jax: 0.10.2.dev20260603
libtpu: 0.0.44.dev20260713+nightly
codegen_flags: <defaults>
</compile_context>

<pallas_src>
import functools

import jax
import jax.numpy as jnp
from jax import lax
from jax.experimental import pallas as pl
from jax.experimental.pallas import tpu as pltpu
from jax.experimental.pallas import tpu_sc as plsc

_B, _P, _C = 32, 2048, 6
_NUM_CODONS = 64
_L = 16
_NSUB = 16
_PS = _P // _NSUB
_KS = _PS * _C
_CAI_TARGET = 0.8
_LAMBDA = 1.0

_LN2 = 0.6931471805599453
_SQRT2 = 1.4142135623730951


def _log16(x):
    bits = plsc.bitcast(x, jnp.int32)
    e = (bits >> 23) - 127
    m = plsc.bitcast((bits & 0x007FFFFF) | 0x3F800000, jnp.float32)
    big = m > _SQRT2
    m = jnp.where(big, m * 0.5, m)
    e = jnp.where(big, e + 1, e)
    s = (m - 1.0) / (m + 1.0)
    z = s * s
    p = 1.0 / 9.0
    p = p * z + 1.0 / 7.0
    p = p * z + 1.0 / 5.0
    p = p * z + 1.0 / 3.0
    p = p * z + 1.0
    return e.astype(jnp.float32) * _LN2 + 2.0 * s * p


def _sc_cai_loss(probs_t, mask_f, idx_i, weights):
    mesh = plsc.VectorSubcoreMesh(core_axis_name="c", subcore_axis_name="s")

    @functools.partial(
        pl.kernel,
        mesh=mesh,
        out_type=[
            jax.ShapeDtypeStruct((_NSUB, 2 * _L), jnp.float32),
            jax.ShapeDtypeStruct((_L,), jnp.float32),
        ],
        compiler_params=pltpu.CompilerParams(needs_layout_passes=False),
        scratch_types=[
            pltpu.VMEM((_KS * _B,), jnp.float32),
            pltpu.VMEM((_KS,), jnp.int32),
            pltpu.VMEM((_KS,), jnp.float32),
            pltpu.VMEM((_KS + _L,), jnp.float32),
            pltpu.VMEM((_NUM_CODONS,), jnp.float32),
            pltpu.VMEM((2 * _L,), jnp.float32),
            pltpu.VMEM((_NSUB, 2 * _L), jnp.float32),
            pltpu.SemaphoreType.DMA,
        ],
    )
    def k(probs_hbm, mask_hbm, idx_hbm, wt_hbm, part_hbm, out_hbm,
          pv, idx_v, msk_v, sw_v, wt_v, stage_v, pa_v, dma_sem):
        cid = lax.axis_index("c")
        sid = lax.axis_index("s")

        @pl.when(cid == 0)
        def _work():
            pcopy = pltpu.async_copy(
                probs_hbm.at[pl.ds(sid * (_KS * _B), _KS * _B)], pv, dma_sem)
            pltpu.sync_copy(wt_hbm, wt_v)
            pltpu.sync_copy(idx_hbm.at[pl.ds(sid * _KS, _KS)], idx_v)
            pltpu.sync_copy(mask_hbm.at[pl.ds(sid * _KS, _KS)], msk_v)

            def sw_body(i, carry):
                sl = pl.ds(i * _L, _L)
                w16 = plsc.load_gather(wt_v, [idx_v[sl]])
                sw_v[sl] = w16 * msk_v[sl]
                return carry

            lax.fori_loop(0, _KS // _L, sw_body, 0)
            pcopy.wait()

            def body(g, carry):
                acc_lo, acc_hi = carry
                wv0 = sw_v[pl.ds(g * 24, _L)]
                wv1 = sw_v[pl.ds(g * 24 + _L, _L)]
                prod_lo = None
                prod_hi = None
                for q in range(4):
                    ec_lo = jnp.zeros((_L,), jnp.float32)
                    ec_hi = jnp.zeros((_L,), jnp.float32)
                    for c in range(_C):
                        j = q * _C + c
                        w = wv0[j] if j < _L else wv1[j - _L]
                        off = g * (4 * _C * _B) + j * _B
                        ec_lo = ec_lo + pv[pl.ds(off, _L)] * w
                        ec_hi = ec_hi + pv[pl.ds(off + _L, _L)] * w
                    ec_lo = jnp.maximum(ec_lo, 1e-10)
                    ec_hi = jnp.maximum(ec_hi, 1e-10)
                    prod_lo = ec_lo if prod_lo is None else prod_lo * ec_lo
                    prod_hi = ec_hi if prod_hi is None else prod_hi * ec_hi
                acc_lo = acc_lo + _log16(prod_lo)
                acc_hi = acc_hi + _log16(prod_hi)
                return acc_lo, acc_hi

            z16 = jnp.zeros((_L,), jnp.float32)
            acc_lo, acc_hi = lax.fori_loop(0, _PS // 4, body, (z16, z16))
            stage_v[0:_L] = acc_lo
            stage_v[_L:2 * _L] = acc_hi
            pltpu.sync_copy(stage_v, part_hbm.at[sid])

        plsc.subcore_barrier()

        @pl.when((cid == 0) & (sid == 0))
        def _reduce():
            pltpu.sync_copy(part_hbm, pa_v)
            slo = jnp.zeros((_L,), jnp.float32)
            shi = jnp.zeros((_L,), jnp.float32)
            for j in range(_NSUB):
                slo = slo + pa_v[j, 0:_L]
                shi = shi + pa_v[j, _L:2 * _L]
            dlo = jnp.exp(slo * (1.0 / _P)) - _CAI_TARGET
            dhi = jnp.exp(shi * (1.0 / _P)) - _CAI_TARGET
            tot = jnp.sum(dlo * dlo) + jnp.sum(dhi * dhi)
            stage_v[0:_L] = jnp.broadcast_to(tot * (_LAMBDA / _B), (_L,))
            pltpu.sync_copy(stage_v.at[0:_L], out_hbm)

    return k(probs_t, mask_f, idx_i, weights)[1]


def kernel(codon_probs, valid_codon_mask, codon_indices, cai_weights):
    probs_t = jnp.transpose(codon_probs, (1, 2, 0)).reshape(_P * _C * _B)
    mask_f = valid_codon_mask.astype(jnp.float32).reshape(_P * _C)
    idx_i = codon_indices.astype(jnp.int32).reshape(_P * _C)
    out = _sc_cai_loss(probs_t, mask_f, idx_i, cai_weights)
    return out[0]

# --- scband reference (transcript-rebuilt; emitter-appended) ---
"""Pipeline reference for scband-unified-cailoss-72327249264948 (READ-ONLY COPY).

The authoritative reference and input builder live on the scoring server;
editing this copy changes nothing except your own understanding.
"""

import jax, jax.numpy as jnp
import numpy as np

CAI_TARGET = 0.8
LAMBDA_CAI = 1.0

def setup_inputs(seed: int = 0) -> dict:
    key = jax.random.key(seed)
    k1, k2, k3 = jax.random.split(key, 3)
    B, P, C = 32, 2048, 6
    NUM_CODONS = 64
    codon_probs = jax.random.uniform(k1, (B, P, C), dtype=jnp.float32)
    # normalize per position so they behave like probability distributions
    codon_probs = codon_probs / jnp.sum(codon_probs, axis=-1, keepdims=True)
    valid_codon_mask = jnp.ones((P, C), dtype=jnp.bool_)
    codon_indices = jax.random.randint(k2, (P, C), 0, NUM_CODONS, dtype=jnp.int64)
    # CAI wi weights in (0, 1]
    cai_weights = jax.random.uniform(k3, (NUM_CODONS,), dtype=jnp.float32, minval=0.05, maxval=1.0)
    return {
        "codon_probs": codon_probs,
        "valid_codon_mask": valid_codon_mask,
        "codon_indices": codon_indices,
        "cai_weights": cai_weights,
    }

def reference(codon_probs, valid_codon_mask, codon_indices, cai_weights):
    # ECAI(pi) = (prod_j sum_{c in C(y_j)} pi_{j,c} * w_c)^{1/M}
    # gather per-slot CAI weights: [P, C]
    slot_weights = jnp.take(cai_weights, codon_indices, axis=0)
    slot_weights = jnp.where(valid_codon_mask, slot_weights, 0.0)
    # expected CAI per position per batch: [B, P]
    expected_cai = jnp.einsum("bpc,pc->bp", codon_probs, slot_weights)
    log_position_cai = jnp.log(jnp.clip(expected_cai, 1e-10, None))
    mean_log_cai = jnp.mean(log_position_cai, axis=1)
    ecai = jnp.exp(mean_log_cai)  # [B]
    # L_CAI = lambda * (ECAI - CAI_target)^2, mean over batch
    loss = LAMBDA_CAI * jnp.mean((ecai - CAI_TARGET) ** 2)
    return loss

if __name__ == "__main__":
    import jax
    _d = setup_inputs()
    print(jax.jit(kernel)(*tuple(_d.values())))

</pallas_src>

<mosaic_0001>
#map = affine_map<(d0, d1) -> (0)>
#map1 = affine_map<(d0, d1) -> (0, 0)>
module attributes {stable_mosaic.version = 14 : i64} {
  func.func @k(%arg0: i32, %arg1: i32, %arg2: memref<393216xf32, #tpu.memory_space<hbm>>, %arg3: memref<12288xf32, #tpu.memory_space<hbm>>, %arg4: memref<12288xi32, #tpu.memory_space<hbm>>, %arg5: memref<64xf32, #tpu.memory_space<hbm>>, %arg6: memref<16x32xf32, #tpu.memory_space<hbm>>, %arg7: memref<16xf32, #tpu.memory_space<hbm>>, %arg8: memref<24576xf32, #tpu.memory_space<vmem>>, %arg9: memref<768xi32, #tpu.memory_space<vmem>>, %arg10: memref<768xf32, #tpu.memory_space<vmem>>, %arg11: memref<784xf32, #tpu.memory_space<vmem>>, %arg12: memref<64xf32, #tpu.memory_space<vmem>>, %arg13: memref<32xf32, #tpu.memory_space<vmem>>, %arg14: memref<16x32xf32, #tpu.memory_space<vmem>>, %arg15: memref<!tpu.dma_semaphore, #tpu.memory_space<semaphore_mem>>) attributes {dimension_semantics = [#tpu.dimension_semantics<core_parallel>, #tpu.dimension_semantics<subcore_parallel>], iteration_bounds = array<i64: 2, 16>, scalar_prefetch = 0 : i64, scratch_operands = 8 : i64, tpu.core_type = #tpu.core_type<sc_vector_subcore>, window_params = [{transform_indices = #map}, {transform_indices = #map}, {transform_indices = #map}, {transform_indices = #map}, {transform_indices = #map1}, {transform_indices = #map}]} {
    %eq3A = arith.constant 0 : i32
    %eq3A_0 = arith.cmpi eq, %arg0, %eq3A : i32
    %convert_element_type3A = arith.extui %eq3A_0 : i1 to i32
    %cond3A = arith.constant 0 : i32
    %cond3A_1 = arith.cmpi ne, %convert_element_type3A, %cond3A : i32
    scf.if %cond3A_1 {
      %mul3A = arith.constant 24576 : i32
      %mul3A_9 = arith.muli %arg1, %mul3A : i32
      %dma_start3A = tpu.memref_slice %arg2[%mul3A_9] : memref<393216xf32, #tpu.memory_space<hbm>> -> memref<24576xf32, #tpu.memory_space<hbm>>
      %dma_start3A_10 = tpu.memref_slice %arg2[%mul3A_9] : memref<393216xf32, #tpu.memory_space<hbm>> -> memref<24576xf32, #tpu.memory_space<hbm>>
      tpu.enqueue_dma source(%dma_start3A_10 : memref<24576xf32, #tpu.memory_space<hbm>>) target(%arg8 : memref<24576xf32, #tpu.memory_space<vmem>>) target_semaphore(%arg15 : memref<!tpu.dma_semaphore, #tpu.memory_space<semaphore_mem>>)
      "tpu.region"() ({
        %run_scoped3A = tpu.sem_alloc : memref<!tpu.dma_semaphore, #tpu.memory_space<semaphore_mem>>
        tpu.enqueue_dma source(%arg5 : memref<64xf32, #tpu.memory_space<hbm>>) target(%arg12 : memref<64xf32, #tpu.memory_space<vmem>>) target_semaphore(%run_scoped3A : memref<!tpu.dma_semaphore, #tpu.memory_space<semaphore_mem>>)
        tpu.wait_dma2 semaphore(%run_scoped3A : memref<!tpu.dma_semaphore, #tpu.memory_space<semaphore_mem>>) src(%arg5 : memref<64xf32, #tpu.memory_space<hbm>>) dst(%arg12 : memref<64xf32, #tpu.memory_space<vmem>>)
        tpu.yield
      }) : () -> ()
      %mul3A_11 = arith.constant 768 : i32
      %mul3A_12 = arith.muli %arg1, %mul3A_11 : i32
      "tpu.region"() ({
        %run_scoped3A = tpu.sem_alloc : memref<!tpu.dma_semaphore, #tpu.memory_space<semaphore_mem>>
        %dma_start3A_31 = tpu.memref_slice %arg4[%mul3A_12] : memref<12288xi32, #tpu.memory_space<hbm>> -> memref<768xi32, #tpu.memory_space<hbm>>
        %dma_start3A_32 = tpu.memref_slice %arg4[%mul3A_12] : memref<12288xi32, #tpu.memory_space<hbm>> -> memref<768xi32, #tpu.memory_space<hbm>>
        tpu.enqueue_dma source(%dma_start3A_32 : memref<768xi32, #tpu.memory_space<hbm>>) target(%arg9 : memref<768xi32, #tpu.memory_space<vmem>>) target_semaphore(%run_scoped3A : memref<!tpu.dma_semaphore, #tpu.memory_space<semaphore_mem>>)
        %dma_wait3A_33 = tpu.memref_slice %arg4[%mul3A_12] : memref<12288xi32, #tpu.memory_space<hbm>> -> memref<768xi32, #tpu.memory_space<hbm>>
        %dma_wait3A_34 = tpu.memref_slice %arg4[%mul3A_12] : memref<12288xi32, #tpu.memory_space<hbm>> -> memref<768xi32, #tpu.memory_space<hbm>>
        tpu.wait_dma2 semaphore(%run_scoped3A : memref<!tpu.dma_semaphore, #tpu.memory_space<semaphore_mem>>) src(%dma_wait3A_34 : memref<768xi32, #tpu.memory_space<hbm>>) dst(%arg9 : memref<768xi32, #tpu.memory_space<vmem>>)
        tpu.yield
      }) : () -> ()
      %mul3A_13 = arith.constant 768 : i32
      %mul3A_14 = arith.muli %arg1, %mul3A_13 : i32
      "tpu.region"() ({
        %run_scoped3A = tpu.sem_alloc : memref<!tpu.dma_semaphore, #tpu.memory_space<semaphore_mem>>
        %dma_start3A_31 = tpu.memref_slice %arg3[%mul3A_14] : memref<12288xf32, #tpu.memory_space<hbm>> -> memref<768xf32, #tpu.memory_space<hbm>>
        %dma_start3A_32 = tpu.memref_slice %arg3[%mul3A_14] : memref<12288xf32, #tpu.memory_space<hbm>> -> memref<768xf32, #tpu.memory_space<hbm>>
        tpu.enqueue_dma source(%dma_start3A_32 : memref<768xf32, #tpu.memory_space<hbm>>) target(%arg10 : memref<768xf32, #tpu.memory_space<vmem>>) target_semaphore(%run_scoped3A : memref<!tpu.dma_semaphore, #tpu.memory_space<semaphore_mem>>)
        %dma_wait3A_33 = tpu.memref_slice %arg3[%mul3A_14] : memref<12288xf32, #tpu.memory_space<hbm>> -> memref<768xf32, #tpu.memory_space<hbm>>
        %dma_wait3A_34 = tpu.memref_slice %arg3[%mul3A_14] : memref<12288xf32, #tpu.memory_space<hbm>> -> memref<768xf32, #tpu.memory_space<hbm>>
        tpu.wait_dma2 semaphore(%run_scoped3A : memref<!tpu.dma_semaphore, #tpu.memory_space<semaphore_mem>>) src(%dma_wait3A_34 : memref<768xf32, #tpu.memory_space<hbm>>) dst(%arg10 : memref<768xf32, #tpu.memory_space<vmem>>)
        tpu.yield
      }) : () -> ()
      %scan3A = arith.constant 0 : i32
      %scan3A_15 = arith.constant 0 : i32
      %scan3A_16 = arith.constant 48 : i32
      %scan3A_17 = arith.addi %scan3A_15, %scan3A_16 : i32
      %scan3A_18 = arith.constant 1 : i32
      scf.for %scan3A_31 = %scan3A_15 to %scan3A_17 step %scan3A_18  : i32 {
        %mul3A_32 = arith.constant 16 : i32
        %mul3A_33 = arith.muli %scan3A_31, %mul3A_32 : i32
        %get3A = arith.index_cast %mul3A_33 : i32 to index
        %get3A_34 = tpu.vector_load %arg9[%get3A] {strides = array<i32>} : memref<768xi32, #tpu.memory_space<vmem>>, vector<16xi32>,
        %gather3A = tpu.vector_load_idx %arg12[%get3A_34] : memref<64xf32, #tpu.memory_space<vmem>>[vector<16xi32>], vector<16xf32>,
        %get3A_35 = arith.index_cast %mul3A_33 : i32 to index
        %get3A_36 = tpu.vector_load %arg10[%get3A_35] {strides = array<i32>} : memref<768xf32, #tpu.memory_space<vmem>>, vector<16xf32>,
        %mul3A_37 = arith.mulf %gather3A, %get3A_36 : vector<16xf32>
        %swap3A_38 = arith.index_cast %mul3A_33 : i32 to index
        %swap3A_39 = tpu.vector_load %arg11[%swap3A_38] {strides = array<i32>} : memref<784xf32, #tpu.memory_space<vmem>>, vector<16xf32>,
        tpu.vector_store %arg11[%swap3A_38], %mul3A_37 {strides = array<i32>} : memref<784xf32, #tpu.memory_space<vmem>>, vector<16xf32>,
      }
      %scan3A_19 = arith.constant 48 : i32
      %dma_wait3A = tpu.memref_slice %arg2[%mul3A_9] : memref<393216xf32, #tpu.memory_space<hbm>> -> memref<24576xf32, #tpu.memory_space<hbm>>
      %dma_wait3A_20 = tpu.memref_slice %arg2[%mul3A_9] : memref<393216xf32, #tpu.memory_space<hbm>> -> memref<24576xf32, #tpu.memory_space<hbm>>
      tpu.wait_dma2 semaphore(%arg15 : memref<!tpu.dma_semaphore, #tpu.memory_space<semaphore_mem>>) src(%dma_wait3A_20 : memref<24576xf32, #tpu.memory_space<hbm>>) dst(%arg8 : memref<24576xf32, #tpu.memory_space<vmem>>)
      %broadcast_in_dim3A = arith.constant 0.000000e+00 : f32
      %broadcast_in_dim3A_21 = vector.broadcast %broadcast_in_dim3A : f32 to vector<16xf32>
      %scan3A_22 = arith.constant 0 : i32
      %scan3A_23 = arith.constant 32 : i32
      %scan3A_24 = arith.addi %scan3A_22, %scan3A_23 : i32
      %scan3A_25 = arith.constant 1 : i32
      %scan3A_26:2 = scf.for %scan3A_31 = %scan3A_22 to %scan3A_24 step %scan3A_25 iter_args(%scan3A_32 = %broadcast_in_dim3A_21, %scan3A_33 = %broadcast_in_dim3A_21) -> (vector<16xf32>, vector<16xf32>)  : i32 {
        %mul3A_34 = arith.constant 24 : i32
        %mul3A_35 = arith.muli %scan3A_31, %mul3A_34 : i32
        %get3A = arith.index_cast %mul3A_35 : i32 to index
        %get3A_36 = tpu.vector_load %arg11[%get3A] {strides = array<i32>} : memref<784xf32, #tpu.memory_space<vmem>>, vector<16xf32>,
        %mul3A_37 = arith.constant 24 : i32
        %mul3A_38 = arith.muli %scan3A_31, %mul3A_37 : i32
        %add3A = arith.constant 16 : i32
        %add3A_39 = arith.addi %mul3A_38, %add3A : i32
        %get3A_40 = arith.index_cast %add3A_39 : i32 to index
        %get3A_41 = tpu.vector_load %arg11[%get3A_40] {strides = array<i32>} : memref<784xf32, #tpu.memory_space<vmem>>, vector<16xf32>,
        %broadcast_in_dim3A_42 = arith.constant 0.000000e+00 : f32
        %broadcast_in_dim3A_43 = vector.broadcast %broadcast_in_dim3A_42 : f32 to vector<16xf32>
        %broadcast_in_dim3A_44 = arith.constant 0.000000e+00 : f32
        %broadcast_in_dim3A_45 = vector.broadcast %broadcast_in_dim3A_44 : f32 to vector<16xf32>
        %slice3A = vector.extract_strided_slice %get3A_36 {offsets = [0], sizes = [1], strides = [1]} : vector<16xf32> to vector<1xf32>
        %squeeze3A = vector.extract %slice3A[0] : f32 from vector<1xf32>
        %mul3A_46 = arith.constant 768 : i32
        %mul3A_47 = arith.muli %scan3A_31, %mul3A_46 : i32
        %add3A_48 = arith.constant 0 : i32
        %add3A_49 = arith.addi %mul3A_47, %add3A_48 : i32
        %get3A_50 = arith.index_cast %add3A_49 : i32 to index
        %get3A_51 = tpu.vector_load %arg8[%get3A_50] {strides = array<i32>} : memref<24576xf32, #tpu.memory_space<vmem>>, vector<16xf32>,
        %mul3A_52 = vector.broadcast %squeeze3A : f32 to vector<16xf32>
        %mul3A_53 = arith.mulf %get3A_51, %mul3A_52 : vector<16xf32>
        %add3A_54 = arith.addf %broadcast_in_dim3A_43, %mul3A_53 : vector<16xf32>
        %add3A_55 = arith.constant 16 : i32
        %add3A_56 = arith.addi %add3A_49, %add3A_55 : i32
        %get3A_57 = arith.index_cast %add3A_56 : i32 to index
        %get3A_58 = tpu.vector_load %arg8[%get3A_57] {strides = array<i32>} : memref<24576xf32, #tpu.memory_space<vmem>>, vector<16xf32>,
        %mul3A_59 = vector.broadcast %squeeze3A : f32 to vector<16xf32>
        %mul3A_60 = arith.mulf %get3A_58, %mul3A_59 : vector<16xf32>
        %add3A_61 = arith.addf %broadcast_in_dim3A_45, %mul3A_60 : vector<16xf32>
        %slice3A_62 = vector.extract_strided_slice %get3A_36 {offsets = [1], sizes = [1], strides = [1]} : vector<16xf32> to vector<1xf32>
        %squeeze3A_63 = vector.extract %slice3A_62[0] : f32 from vector<1xf32>
        %mul3A_64 = arith.constant 768 : i32
        %mul3A_65 = arith.muli %scan3A_31, %mul3A_64 : i32
        %add3A_66 = arith.constant 32 : i32
        %add3A_67 = arith.addi %mul3A_65, %add3A_66 : i32
        %get3A_68 = arith.index_cast %add3A_67 : i32 to index
        %get3A_69 = tpu.vector_load %arg8[%get3A_68] {strides = array<i32>} : memref<24576xf32, #tpu.memory_space<vmem>>, vector<16xf32>,
        %mul3A_70 = vector.broadcast %squeeze3A_63 : f32 to vector<16xf32>
        %mul3A_71 = arith.mulf %get3A_69, %mul3A_70 : vector<16xf32>
        %add3A_72 = arith.addf %add3A_54, %mul3A_71 : vector<16xf32>
        %add3A_73 = arith.constant 16 : i32
        %add3A_74 = arith.addi %add3A_67, %add3A_73 : i32
        %get3A_75 = arith.index_cast %add3A_74 : i32 to index
        %get3A_76 = tpu.vector_load %arg8[%get3A_75] {strides = array<i32>} : memref<24576xf32, #tpu.memory_space<vmem>>, vector<16xf32>,
        %mul3A_77 = vector.broadcast %squeeze3A_63 : f32 to vector<16xf32>
        %mul3A_78 = arith.mulf %get3A_76, %mul3A_77 : vector<16xf32>
        %add3A_79 = arith.addf %add3A_61, %mul3A_78 : vector<16xf32>
        %slice3A_80 = vector.extract_strided_slice %get3A_36 {offsets = [2], sizes = [1], strides = [1]} : vector<16xf32> to vector<1xf32>
        %squeeze3A_81 = vector.extract %slice3A_80[0] : f32 from vector<1xf32>
        %mul3A_82 = arith.constant 768 : i32
        %mul3A_83 = arith.muli %scan3A_31, %mul3A_82 : i32
        %add3A_84 = arith.constant 64 : i32
        %add3A_85 = arith.addi %mul3A_83, %add3A_84 : i32
        %get3A_86 = arith.index_cast %add3A_85 : i32 to index
        %get3A_87 = tpu.vector_load %arg8[%get3A_86] {strides = array<i32>} : memref<24576xf32, #tpu.memory_space<vmem>>, vector<16xf32>,
        %mul3A_88 = vector.broadcast %squeeze3A_81 : f32 to vector<16xf32>
        %mul3A_89 = arith.mulf %get3A_87, %mul3A_88 : vector<16xf32>
        %add3A_90 = arith.addf %add3A_72, %mul3A_89 : vector<16xf32>
        %add3A_91 = arith.constant 16 : i32
        %add3A_92 = arith.addi %add3A_85, %add3A_91 : i32
        %get3A_93 = arith.index_cast %add3A_92 : i32 to index
        %get3A_94 = tpu.vector_load %arg8[%get3A_93] {strides = array<i32>} : memref<24576xf32, #tpu.memory_space<vmem>>, vector<16xf32>,
        %mul3A_95 = vector.broadcast %squeeze3A_81 : f32 to vector<16xf32>
        %mul3A_96 = arith.mulf %get3A_94, %mul3A_95 : vector<16xf32>
        %add3A_97 = arith.addf %add3A_79, %mul3A_96 : vector<16xf32>
        %slice3A_98 = vector.extract_strided_slice %get3A_36 {offsets = [3], sizes = [1], strides = [1]} : vector<16xf32> to vector<1xf32>
        %squeeze3A_99 = vector.extract %slice3A_98[0] : f32 from vector<1xf32>
        %mul3A_100 = arith.constant 768 : i32
        %mul3A_101 = arith.muli %scan3A_31, %mul3A_100 : i32
        %add3A_102 = arith.constant 96 : i32
        %add3A_103 = arith.addi %mul3A_101, %add3A_102 : i32
        %get3A_104 = arith.index_cast %add3A_103 : i32 to index
        %get3A_105 = tpu.vector_load %arg8[%get3A_104] {strides = array<i32>} : memref<24576xf32, #tpu.memory_space<vmem>>, vector<16xf32>,
        %mul3A_106 = vector.broadcast %squeeze3A_99 : f32 to vector<16xf32>
        %mul3A_107 = arith.mulf %get3A_105, %mul3A_106 : vector<16xf32>
        %add3A_108 = arith.addf %add3A_90, %mul3A_107 : vector<16xf32>
        %add3A_109 = arith.constant 16 : i32
        %add3A_110 = arith.addi %add3A_103, %add3A_109 : i32
        %get3A_111 = arith.index_cast %add3A_110 : i32 to index
        %get3A_112 = tpu.vector_load %arg8[%get3A_111] {strides = array<i32>} : memref<24576xf32, #tpu.memory_space<vmem>>, vector<16xf32>,
        %mul3A_113 = vector.broadcast %squeeze3A_99 : f32 to vector<16xf32>
        %mul3A_114 = arith.mulf %get3A_112, %mul3A_113 : vector<16xf32>
        %add3A_115 = arith.addf %add3A_97, %mul3A_114 : vector<16xf32>
        %slice3A_116 = vector.extract_strided_slice %get3A_36 {offsets = [4], sizes = [1], strides = [1]} : vector<16xf32> to vector<1xf32>
        %squeeze3A_117 = vector.extract %slice3A_116[0] : f32 from vector<1xf32>
        %mul3A_118 = arith.constant 768 : i32
        %mul3A_119 = arith.muli %scan3A_31, %mul3A_118 : i32
        %add3A_120 = arith.constant 128 : i32
        %add3A_121 = arith.addi %mul3A_119, %add3A_120 : i32
        %get3A_122 = arith.index_cast %add3A_121 : i32 to index
        %get3A_123 = tpu.vector_load %arg8[%get3A_122] {strides = array<i32>} : memref<24576xf32, #tpu.memory_space<vmem>>, vector<16xf32>,
        %mul3A_124 = vector.broadcast %squeeze3A_117 : f32 to vector<16xf32>
        %mul3A_125 = arith.mulf %get3A_123, %mul3A_124 : vector<16xf32>
        %add3A_126 = arith.addf %add3A_108, %mul3A_125 : vector<16xf32>
        %add3A_127 = arith.constant 16 : i32
        %add3A_128 = arith.addi %add3A_121, %add3A_127 : i32
        %get3A_129 = arith.index_cast %add3A_128 : i32 to index
        %get3A_130 = tpu.vector_load %arg8[%get3A_129] {strides = array<i32>} : memref<24576xf32, #tpu.memory_space<vmem>>, vector<16xf32>,
        %mul3A_131 = vector.broadcast %squeeze3A_117 : f32 to vector<16xf32>
        %mul3A_132 = arith.mulf %get3A_130, %mul3A_131 : vector<16xf32>
        %add3A_133 = arith.addf %add3A_115, %mul3A_132 : vector<16xf32>
        %slice3A_134 = vector.extract_strided_slice %get3A_36 {offsets = [5], sizes = [1], strides = [1]} : vector<16xf32> to vector<1xf32>
        %squeeze3A_135 = vector.extract %slice3A_134[0] : f32 from vector<1xf32>
        %mul3A_136 = arith.constant 768 : i32
        %mul3A_137 = arith.muli %scan3A_31, %mul3A_136 : i32
        %add3A_138 = arith.constant 160 : i32
        %add3A_139 = arith.addi %mul3A_137, %add3A_138 : i32
        %get3A_140 = arith.index_cast %add3A_139 : i32 to index
        %get3A_141 = tpu.vector_load %arg8[%get3A_140] {strides = array<i32>} : memref<24576xf32, #tpu.memory_space<vmem>>, vector<16xf32>,
        %mul3A_142 = vector.broadcast %squeeze3A_135 : f32 to vector<16xf32>
        %mul3A_143 = arith.mulf %get3A_141, %mul3A_142 : vector<16xf32>
        %add3A_144 = arith.addf %add3A_126, %mul3A_143 : vector<16xf32>
        %add3A_145 = arith.constant 16 : i32
        %add3A_146 = arith.addi %add3A_139, %add3A_145 : i32
        %get3A_147 = arith.index_cast %add3A_146 : i32 to index
        %get3A_148 = tpu.vector_load %arg8[%get3A_147] {strides = array<i32>} : memref<24576xf32, #tpu.memory_space<vmem>>, vector<16xf32>,
        %mul3A_149 = vector.broadcast %squeeze3A_135 : f32 to vector<16xf32>
        %mul3A_150 = arith.mulf %get3A_148, %mul3A_149 : vector<16xf32>
        %add3A_151 = arith.addf %add3A_133, %mul3A_150 : vector<16xf32>
        %max3A = arith.constant 1.000000e-10 : f32
        %max3A_152 = vector.broadcast %max3A : f32 to vector<16xf32>
        %max3A_153 = arith.maximumf %add3A_144, %max3A_152 : vector<16xf32>
        %max3A_154 = arith.constant 1.000000e-10 : f32
        %max3A_155 = vector.broadcast %max3A_154 : f32 to vector<16xf32>
        %max3A_156 = arith.maximumf %add3A_151, %max3A_155 : vector<16xf32>
        %broadcast_in_dim3A_157 = arith.constant 0.000000e+00 : f32
        %broadcast_in_dim3A_158 = vector.broadcast %broadcast_in_dim3A_157 : f32 to vector<16xf32>
        %broadcast_in_dim3A_159 = arith.constant 0.000000e+00 : f32
        %broadcast_in_dim3A_160 = vector.broadcast %broadcast_in_dim3A_159 : f32 to vector<16xf32>
        %slice3A_161 = vector.extract_strided_slice %get3A_36 {offsets = [6], sizes = [1], strides = [1]} : vector<16xf32> to vector<1xf32>
        %squeeze3A_162 = vector.extract %slice3A_161[0] : f32 from vector<1xf32>
        %mul3A_163 = arith.constant 768 : i32
        %mul3A_164 = arith.muli %scan3A_31, %mul3A_163 : i32
        %add3A_165 = arith.constant 192 : i32
        %add3A_166 = arith.addi %mul3A_164, %add3A_165 : i32
        %get3A_167 = arith.index_cast %add3A_166 : i32 to index
        %get3A_168 = tpu.vector_load %arg8[%get3A_167] {strides = array<i32>} : memref<24576xf32, #tpu.memory_space<vmem>>, vector<16xf32>,
        %mul3A_169 = vector.broadcast %squeeze3A_162 : f32 to vector<16xf32>
        %mul3A_170 = arith.mulf %get3A_168, %mul3A_169 : vector<16xf32>
        %add3A_171 = arith.addf %broadcast_in_dim3A_158, %mul3A_170 : vector<16xf32>
        %add3A_172 = arith.constant 16 : i32
        %add3A_173 = arith.addi %add3A_166, %add3A_172 : i32
        %get3A_174 = arith.index_cast %add3A_173 : i32 to index
        %get3A_175 = tpu.vector_load %arg8[%get3A_174] {strides = array<i32>} : memref<24576xf32, #tpu.memory_space<vmem>>, vector<16xf32>,
        %mul3A_176 = vector.broadcast %squeeze3A_162 : f32 to vector<16xf32>
        %mul3A_177 = arith.mulf %get3A_175, %mul3A_176 : vector<16xf32>
        %add3A_178 = arith.addf %broadcast_in_dim3A_160, %mul3A_177 : vector<16xf32>
        %slice3A_179 = vector.extract_strided_slice %get3A_36 {offsets = [7], sizes = [1], strides = [1]} : vector<16xf32> to vector<1xf32>
        %squeeze3A_180 = vector.extract %slice3A_179[0] : f32 from vector<1xf32>
        %mul3A_181 = arith.constant 768 : i32
        %mul3A_182 = arith.muli %scan3A_31, %mul3A_181 : i32
        %add3A_183 = arith.constant 224 : i32
        %add3A_184 = arith.addi %mul3A_182, %add3A_183 : i32
        %get3A_185 = arith.index_cast %add3A_184 : i32 to index
        %get3A_186 = tpu.vector_load %arg8[%get3A_185] {strides = array<i32>} : memref<24576xf32, #tpu.memory_space<vmem>>, vector<16xf32>,
        %mul3A_187 = vector.broadcast %squeeze3A_180 : f32 to vector<16xf32>
        %mul3A_188 = arith.mulf %get3A_186, %mul3A_187 : vector<16xf32>
        %add3A_189 = arith.addf %add3A_171, %mul3A_188 : vector<16xf32>
        %add3A_190 = arith.constant 16 : i32
        %add3A_191 = arith.addi %add3A_184, %add3A_190 : i32
        %get3A_192 = arith.index_cast %add3A_191 : i32 to index
        %get3A_193 = tpu.vector_load %arg8[%get3A_192] {strides = array<i32>} : memref<24576xf32, #tpu.memory_space<vmem>>, vector<16xf32>,
        %mul3A_194 = vector.broadcast %squeeze3A_180 : f32 to vector<16xf32>
        %mul3A_195 = arith.mulf %get3A_193, %mul3A_194 : vector<16xf32>
        %add3A_196 = arith.addf %add3A_178, %mul3A_195 : vector<16xf32>
        %slice3A_197 = vector.extract_strided_slice %get3A_36 {offsets = [8], sizes = [1], strides = [1]} : vector<16xf32> to vector<1xf32>
        %squeeze3A_198 = vector.extract %slice3A_197[0] : f32 from vector<1xf32>
        %mul3A_199 = arith.constant 768 : i32
        %mul3A_200 = arith.muli %scan3A_31, %mul3A_199 : i32
        %add3A_201 = arith.constant 256 : i32
        %add3A_202 = arith.addi %mul3A_200, %add3A_201 : i32
        %get3A_203 = arith.index_cast %add3A_202 : i32 to index
        %get3A_204 = tpu.vector_load %arg8[%get3A_203] {strides = array<i32>} : memref<24576xf32, #tpu.memory_space<vmem>>, vector<16xf32>,
        %mul3A_205 = vector.broadcast %squeeze3A_198 : f32 to vector<16xf32>
        %mul3A_206 = arith.mulf %get3A_204, %mul3A_205 : vector<16xf32>
        %add3A_207 = arith.addf %add3A_189, %mul3A_206 : vector<16xf32>
        %add3A_208 = arith.constant 16 : i32
        %add3A_209 = arith.addi %add3A_202, %add3A_208 : i32
        %get3A_210 = arith.index_cast %add3A_209 : i32 to index
        %get3A_211 = tpu.vector_load %arg8[%get3A_210] {strides = array<i32>} : memref<24576xf32, #tpu.memory_space<vmem>>, vector<16xf32>,
        %mul3A_212 = vector.broadcast %squeeze3A_198 : f32 to vector<16xf32>
        %mul3A_213 = arith.mulf %get3A_211, %mul3A_212 : vector<16xf32>
        %add3A_214 = arith.addf %add3A_196, %mul3A_213 : vector<16xf32>
        %slice3A_215 = vector.extract_strided_slice %get3A_36 {offsets = [9], sizes = [1], strides = [1]} : vector<16xf32> to vector<1xf32>
        %squeeze3A_216 = vector.extract %slice3A_215[0] : f32 from vector<1xf32>
        %mul3A_217 = arith.constant 768 : i32
        %mul3A_218 = arith.muli %scan3A_31, %mul3A_217 : i32
        %add3A_219 = arith.constant 288 : i32
        %add3A_220 = arith.addi %mul3A_218, %add3A_219 : i32
        %get3A_221 = arith.index_cast %add3A_220 : i32 to index
        %get3A_222 = tpu.vector_load %arg8[%get3A_221] {strides = array<i32>} : memref<24576xf32, #tpu.memory_space<vmem>>, vector<16xf32>,
        %mul3A_223 = vector.broadcast %squeeze3A_216 : f32 to vector<16xf32>
        %mul3A_224 = arith.mulf %get3A_222, %mul3A_223 : vector<16xf32>
        %add3A_225 = arith.addf %add3A_207, %mul3A_224 : vector<16xf32>
        %add3A_226 = arith.constant 16 : i32
        %add3A_227 = arith.addi %add3A_220, %add3A_226 : i32
        %get3A_228 = arith.index_cast %add3A_227 : i32 to index
        %get3A_229 = tpu.vector_load %arg8[%get3A_228] {strides = array<i32>} : memref<24576xf32, #tpu.memory_space<vmem>>, vector<16xf32>,
        %mul3A_230 = vector.broadcast %squeeze3A_216 : f32 to vector<16xf32>
        %mul3A_231 = arith.mulf %get3A_229, %mul3A_230 : vector<16xf32>
        %add3A_232 = arith.addf %add3A_214, %mul3A_231 : vector<16xf32>
        %slice3A_233 = vector.extract_strided_slice %get3A_36 {offsets = [10], sizes = [1], strides = [1]} : vector<16xf32> to vector<1xf32>
        %squeeze3A_234 = vector.extract %slice3A_233[0] : f32 from vector<1xf32>
        %mul3A_235 = arith.constant 768 : i32
        %mul3A_236 = arith.muli %scan3A_31, %mul3A_235 : i32
        %add3A_237 = arith.constant 320 : i32
        %add3A_238 = arith.addi %mul3A_236, %add3A_237 : i32
        %get3A_239 = arith.index_cast %add3A_238 : i32 to index
        %get3A_240 = tpu.vector_load %arg8[%get3A_239] {strides = array<i32>} : memref<24576xf32, #tpu.memory_space<vmem>>, vector<16xf32>,
        %mul3A_241 = vector.broadcast %squeeze3A_234 : f32 to vector<16xf32>
        %mul3A_242 = arith.mulf %get3A_240, %mul3A_241 : vector<16xf32>
        %add3A_243 = arith.addf %add3A_225, %mul3A_242 : vector<16xf32>
        %add3A_244 = arith.constant 16 : i32
        %add3A_245 = arith.addi %add3A_238, %add3A_244 : i32
        %get3A_246 = arith.index_cast %add3A_245 : i32 to index
        %get3A_247 = tpu.vector_load %arg8[%get3A_246] {strides = array<i32>} : memref<24576xf32, #tpu.memory_space<vmem>>, vector<16xf32>,
        %mul3A_248 = vector.broadcast %squeeze3A_234 : f32 to vector<16xf32>
        %mul3A_249 = arith.mulf %get3A_247, %mul3A_248 : vector<16xf32>
        %add3A_250 = arith.addf %add3A_232, %mul3A_249 : vector<16xf32>
        %slice3A_251 = vector.extract_strided_slice %get3A_36 {offsets = [11], sizes = [1], strides = [1]} : vector<16xf32> to vector<1xf32>
        %squeeze3A_252 = vector.extract %slice3A_251[0] : f32 from vector<1xf32>
        %mul3A_253 = arith.constant 768 : i32
        %mul3A_254 = arith.muli %scan3A_31, %mul3A_253 : i32
        %add3A_255 = arith.constant 352 : i32
        %add3A_256 = arith.addi %mul3A_254, %add3A_255 : i32
        %get3A_257 = arith.index_cast %add3A_256 : i32 to index
        %get3A_258 = tpu.vector_load %arg8[%get3A_257] {strides = array<i32>} : memref<24576xf32, #tpu.memory_space<vmem>>, vector<16xf32>,
        %mul3A_259 = vector.broadcast %squeeze3A_252 : f32 to vector<16xf32>
        %mul3A_260 = arith.mulf %get3A_258, %mul3A_259 : vector<16xf32>
        %add3A_261 = arith.addf %add3A_243, %mul3A_260 : vector<16xf32>
        %add3A_262 = arith.constant 16 : i32
        %add3A_263 = arith.addi %add3A_256, %add3A_262 : i32
        %get3A_264 = arith.index_cast %add3A_263 : i32 to index
        %get3A_265 = tpu.vector_load %arg8[%get3A_264] {strides = array<i32>} : memref<24576xf32, #tpu.memory_space<vmem>>, vector<16xf32>,
        %mul3A_266 = vector.broadcast %squeeze3A_252 : f32 to vector<16xf32>
        %mul3A_267 = arith.mulf %get3A_265, %mul3A_266 : vector<16xf32>
        %add3A_268 = arith.addf %add3A_250, %mul3A_267 : vector<16xf32>
        %max3A_269 = arith.constant 1.000000e-10 : f32
        %max3A_270 = vector.broadcast %max3A_269 : f32 to vector<16xf32>
        %max3A_271 = arith.maximumf %add3A_261, %max3A_270 : vector<16xf32>
        %max3A_272 = arith.constant 1.000000e-10 : f32
        %max3A_273 = vector.broadcast %max3A_272 : f32 to vector<16xf32>
        %max3A_274 = arith.maximumf %add3A_268, %max3A_273 : vector<16xf32>
        %mul3A_275 = arith.mulf %max3A_153, %max3A_271 : vector<16xf32>
        %mul3A_276 = arith.mulf %max3A_156, %max3A_274 : vector<16xf32>
        %broadcast_in_dim3A_277 = arith.constant 0.000000e+00 : f32
        %broadcast_in_dim3A_278 = vector.broadcast %broadcast_in_dim3A_277 : f32 to vector<16xf32>
        %broadcast_in_dim3A_279 = arith.constant 0.000000e+00 : f32
        %broadcast_in_dim3A_280 = vector.broadcast %broadcast_in_dim3A_279 : f32 to vector<16xf32>
        %slice3A_281 = vector.extract_strided_slice %get3A_36 {offsets = [12], sizes = [1], strides = [1]} : vector<16xf32> to vector<1xf32>
        %squeeze3A_282 = vector.extract %slice3A_281[0] : f32 from vector<1xf32>
        %mul3A_283 = arith.constant 768 : i32
        %mul3A_284 = arith.muli %scan3A_31, %mul3A_283 : i32
        %add3A_285 = arith.constant 384 : i32
        %add3A_286 = arith.addi %mul3A_284, %add3A_285 : i32
        %get3A_287 = arith.index_cast %add3A_286 : i32 to index
        %get3A_288 = tpu.vector_load %arg8[%get3A_287] {strides = array<i32>} : memref<24576xf32, #tpu.memory_space<vmem>>, vector<16xf32>,
        %mul3A_289 = vector.broadcast %squeeze3A_282 : f32 to vector<16xf32>
        %mul3A_290 = arith.mulf %get3A_288, %mul3A_289 : vector<16xf32>
        %add3A_291 = arith.addf %broadcast_in_dim3A_278, %mul3A_290 : vector<16xf32>
        %add3A_292 = arith.constant 16 : i32
        %add3A_293 = arith.addi %add3A_286, %add3A_292 : i32
        %get3A_294 = arith.index_cast %add3A_293 : i32 to index
        %get3A_295 = tpu.vector_load %arg8[%get3A_294] {strides = array<i32>} : memref<24576xf32, #tpu.memory_space<vmem>>, vector<16xf32>,
        %mul3A_296 = vector.broadcast %squeeze3A_282 : f32 to vector<16xf32>
        %mul3A_297 = arith.mulf %get3A_295, %mul3A_296 : vector<16xf32>
        %add3A_298 = arith.addf %broadcast_in_dim3A_280, %mul3A_297 : vector<16xf32>
        %slice3A_299 = vector.extract_strided_slice %get3A_36 {offsets = [13], sizes = [1], strides = [1]} : vector<16xf32> to vector<1xf32>
        %squeeze3A_300 = vector.extract %slice3A_299[0] : f32 from vector<1xf32>
        %mul3A_301 = arith.constant 768 : i32
        %mul3A_302 = arith.muli %scan3A_31, %mul3A_301 : i32
        %add3A_303 = arith.constant 416 : i32
        %add3A_304 = arith.addi %mul3A_302, %add3A_303 : i32
        %get3A_305 = arith.index_cast %add3A_304 : i32 to index
        %get3A_306 = tpu.vector_load %arg8[%get3A_305] {strides = array<i32>} : memref<24576xf32, #tpu.memory_space<vmem>>, vector<16xf32>,
        %mul3A_307 = vector.broadcast %squeeze3A_300 : f32 to vector<16xf32>
        %mul3A_308 = arith.mulf %get3A_306, %mul3A_307 : vector<16xf32>
        %add3A_309 = arith.addf %add3A_291, %mul3A_308 : vector<16xf32>
        %add3A_310 = arith.constant 16 : i32
        %add3A_311 = arith.addi %add3A_304, %add3A_310 : i32
        %get3A_312 = arith.index_cast %add3A_311 : i32 to index
        %get3A_313 = tpu.vector_load %arg8[%get3A_312] {strides = array<i32>} : memref<24576xf32, #tpu.memory_space<vmem>>, vector<16xf32>,
        %mul3A_314 = vector.broadcast %squeeze3A_300 : f32 to vector<16xf32>
        %mul3A_315 = arith.mulf %get3A_313, %mul3A_314 : vector<16xf32>
        %add3A_316 = arith.addf %add3A_298, %mul3A_315 : vector<16xf32>
        %slice3A_317 = vector.extract_strided_slice %get3A_36 {offsets = [14], sizes = [1], strides = [1]} : vector<16xf32> to vector<1xf32>
        %squeeze3A_318 = vector.extract %slice3A_317[0] : f32 from vector<1xf32>
        %mul3A_319 = arith.constant 768 : i32
        %mul3A_320 = arith.muli %scan3A_31, %mul3A_319 : i32
        %add3A_321 = arith.constant 448 : i32
        %add3A_322 = arith.addi %mul3A_320, %add3A_321 : i32
        %get3A_323 = arith.index_cast %add3A_322 : i32 to index
        %get3A_324 = tpu.vector_load %arg8[%get3A_323] {strides = array<i32>} : memref<24576xf32, #tpu.memory_space<vmem>>, vector<16xf32>,
        %mul3A_325 = vector.broadcast %squeeze3A_318 : f32 to vector<16xf32>
        %mul3A_326 = arith.mulf %get3A_324, %mul3A_325 : vector<16xf32>
        %add3A_327 = arith.addf %add3A_309, %mul3A_326 : vector<16xf32>
        %add3A_328 = arith.constant 16 : i32
        %add3A_329 = arith.addi %add3A_322, %add3A_328 : i32
        %get3A_330 = arith.index_cast %add3A_329 : i32 to index
        %get3A_331 = tpu.vector_load %arg8[%get3A_330] {strides = array<i32>} : memref<24576xf32, #tpu.memory_space<vmem>>, vector<16xf32>,
        %mul3A_332 = vector.broadcast %squeeze3A_318 : f32 to vector<16xf32>
        %mul3A_333 = arith.mulf %get3A_331, %mul3A_332 : vector<16xf32>
        %add3A_334 = arith.addf %add3A_316, %mul3A_333 : vector<16xf32>
        %slice3A_335 = vector.extract_strided_slice %get3A_36 {offsets = [15], sizes = [1], strides = [1]} : vector<16xf32> to vector<1xf32>
        %squeeze3A_336 = vector.extract %slice3A_335[0] : f32 from vector<1xf32>
        %mul3A_337 = arith.constant 768 : i32
        %mul3A_338 = arith.muli %scan3A_31, %mul3A_337 : i32
        %add3A_339 = arith.constant 480 : i32
        %add3A_340 = arith.addi %mul3A_338, %add3A_339 : i32
        %get3A_341 = arith.index_cast %add3A_340 : i32 to index
        %get3A_342 = tpu.vector_load %arg8[%get3A_341] {strides = array<i32>} : memref<24576xf32, #tpu.memory_space<vmem>>, vector<16xf32>,
        %mul3A_343 = vector.broadcast %squeeze3A_336 : f32 to vector<16xf32>
        %mul3A_344 = arith.mulf %get3A_342, %mul3A_343 : vector<16xf32>
        %add3A_345 = arith.addf %add3A_327, %mul3A_344 : vector<16xf32>
        %add3A_346 = arith.constant 16 : i32
        %add3A_347 = arith.addi %add3A_340, %add3A_346 : i32
        %get3A_348 = arith.index_cast %add3A_347 : i32 to index
        %get3A_349 = tpu.vector_load %arg8[%get3A_348] {strides = array<i32>} : memref<24576xf32, #tpu.memory_space<vmem>>, vector<16xf32>,
        %mul3A_350 = vector.broadcast %squeeze3A_336 : f32 to vector<16xf32>
        %mul3A_351 = arith.mulf %get3A_349, %mul3A_350 : vector<16xf32>
        %add3A_352 = arith.addf %add3A_334, %mul3A_351 : vector<16xf32>
        %slice3A_353 = vector.extract_strided_slice %get3A_41 {offsets = [0], sizes = [1], strides = [1]} : vector<16xf32> to vector<1xf32>
        %squeeze3A_354 = vector.extract %slice3A_353[0] : f32 from vector<1xf32>
        %mul3A_355 = arith.constant 768 : i32
        %mul3A_356 = arith.muli %scan3A_31, %mul3A_355 : i32
        %add3A_357 = arith.constant 512 : i32
        %add3A_358 = arith.addi %mul3A_356, %add3A_357 : i32
        %get3A_359 = arith.index_cast %add3A_358 : i32 to index
        %get3A_360 = tpu.vector_load %arg8[%get3A_359] {strides = array<i32>} : memref<24576xf32, #tpu.memory_space<vmem>>, vector<16xf32>,
        %mul3A_361 = vector.broadcast %squeeze3A_354 : f32 to vector<16xf32>
        %mul3A_362 = arith.mulf %get3A_360, %mul3A_361 : vector<16xf32>
        %add3A_363 = arith.addf %add3A_345, %mul3A_362 : vector<16xf32>
        %add3A_364 = arith.constant 16 : i32
        %add3A_365 = arith.addi %add3A_358, %add3A_364 : i32
        %get3A_366 = arith.index_cast %add3A_365 : i32 to index
        %get3A_367 = tpu.vector_load %arg8[%get3A_366] {strides = array<i32>} : memref<24576xf32, #tpu.memory_space<vmem>>, vector<16xf32>,
        %mul3A_368 = vector.broadcast %squeeze3A_354 : f32 to vector<16xf32>
        %mul3A_369 = arith.mulf %get3A_367, %mul3A_368 : vector<16xf32>
        %add3A_370 = arith.addf %add3A_352, %mul3A_369 : vector<16xf32>
        %slice3A_371 = vector.extract_strided_slice %get3A_41 {offsets = [1], sizes = [1], strides = [1]} : vector<16xf32> to vector<1xf32>
        %squeeze3A_372 = vector.extract %slice3A_371[0] : f32 from vector<1xf32>
        %mul3A_373 = arith.constant 768 : i32
        %mul3A_374 = arith.muli %scan3A_31, %mul3A_373 : i32
        %add3A_375 = arith.constant 544 : i32
        %add3A_376 = arith.addi %mul3A_374, %add3A_375 : i32
        %get3A_377 = arith.index_cast %add3A_376 : i32 to index
        %get3A_378 = tpu.vector_load %arg8[%get3A_377] {strides = array<i32>} : memref<24576xf32, #tpu.memory_space<vmem>>, vector<16xf32>,
        %mul3A_379 = vector.broadcast %squeeze3A_372 : f32 to vector<16xf32>
        %mul3A_380 = arith.mulf %get3A_378, %mul3A_379 : vector<16xf32>
        %add3A_381 = arith.addf %add3A_363, %mul3A_380 : vector<16xf32>
        %add3A_382 = arith.constant 16 : i32
        %add3A_383 = arith.addi %add3A_376, %add3A_382 : i32
        %get3A_384 = arith.index_cast %add3A_383 : i32 to index
        %get3A_385 = tpu.vector_load %arg8[%get3A_384] {strides = array<i32>} : memref<24576xf32, #tpu.memory_space<vmem>>, vector<16xf32>,
        %mul3A_386 = vector.broadcast %squeeze3A_372 : f32 to vector<16xf32>
        %mul3A_387 = arith.mulf %get3A_385, %mul3A_386 : vector<16xf32>
        %add3A_388 = arith.addf %add3A_370, %mul3A_387 : vector<16xf32>
        %max3A_389 = arith.constant 1.000000e-10 : f32
        %max3A_390 = vector.broadcast %max3A_389 : f32 to vector<16xf32>
        %max3A_391 = arith.maximumf %add3A_381, %max3A_390 : vector<16xf32>
        %max3A_392 = arith.constant 1.000000e-10 : f32
        %max3A_393 = vector.broadcast %max3A_392 : f32 to vector<16xf32>
        %max3A_394 = arith.maximumf %add3A_388, %max3A_393 : vector<16xf32>
        %mul3A_395 = arith.mulf %mul3A_275, %max3A_391 : vector<16xf32>
        %mul3A_396 = arith.mulf %mul3A_276, %max3A_394 : vector<16xf32>
        %broadcast_in_dim3A_397 = arith.constant 0.000000e+00 : f32
        %broadcast_in_dim3A_398 = vector.broadcast %broadcast_in_dim3A_397 : f32 to vector<16xf32>
        %broadcast_in_dim3A_399 = arith.constant 0.000000e+00 : f32
        %broadcast_in_dim3A_400 = vector.broadcast %broadcast_in_dim3A_399 : f32 to vector<16xf32>
        %slice3A_401 = vector.extract_strided_slice %get3A_41 {offsets = [2], sizes = [1], strides = [1]} : vector<16xf32> to vector<1xf32>
        %squeeze3A_402 = vector.extract %slice3A_401[0] : f32 from vector<1xf32>
        %mul3A_403 = arith.constant 768 : i32
        %mul3A_404 = arith.muli %scan3A_31, %mul3A_403 : i32
        %add3A_405 = arith.constant 576 : i32
        %add3A_406 = arith.addi %mul3A_404, %add3A_405 : i32
        %get3A_407 = arith.index_cast %add3A_406 : i32 to index
        %get3A_408 = tpu.vector_load %arg8[%get3A_407] {strides = array<i32>} : memref<24576xf32, #tpu.memory_space<vmem>>, vector<16xf32>,
        %mul3A_409 = vector.broadcast %squeeze3A_402 : f32 to vector<16xf32>
        %mul3A_410 = arith.mulf %get3A_408, %mul3A_409 : vector<16xf32>
        %add3A_411 = arith.addf %broadcast_in_dim3A_398, %mul3A_410 : vector<16xf32>
        %add3A_412 = arith.constant 16 : i32
        %add3A_413 = arith.addi %add3A_406, %add3A_412 : i32
        %get3A_414 = arith.index_cast %add3A_413 : i32 to index
        %get3A_415 = tpu.vector_load %arg8[%get3A_414] {strides = array<i32>} : memref<24576xf32, #tpu.memory_space<vmem>>, vector<16xf32>,
        %mul3A_416 = vector.broadcast %squeeze3A_402 : f32 to vector<16xf32>
        %mul3A_417 = arith.mulf %get3A_415, %mul3A_416 : vector<16xf32>
        %add3A_418 = arith.addf %broadcast_in_dim3A_400, %mul3A_417 : vector<16xf32>
        %slice3A_419 = vector.extract_strided_slice %get3A_41 {offsets = [3], sizes = [1], strides = [1]} : vector<16xf32> to vector<1xf32>
        %squeeze3A_420 = vector.extract %slice3A_419[0] : f32 from vector<1xf32>
        %mul3A_421 = arith.constant 768 : i32
        %mul3A_422 = arith.muli %scan3A_31, %mul3A_421 : i32
        %add3A_423 = arith.constant 608 : i32
        %add3A_424 = arith.addi %mul3A_422, %add3A_423 : i32
        %get3A_425 = arith.index_cast %add3A_424 : i32 to index
        %get3A_426 = tpu.vector_load %arg8[%get3A_425] {strides = array<i32>} : memref<24576xf32, #tpu.memory_space<vmem>>, vector<16xf32>,
        %mul3A_427 = vector.broadcast %squeeze3A_420 : f32 to vector<16xf32>
        %mul3A_428 = arith.mulf %get3A_426, %mul3A_427 : vector<16xf32>
        %add3A_429 = arith.addf %add3A_411, %mul3A_428 : vector<16xf32>
        %add3A_430 = arith.constant 16 : i32
        %add3A_431 = arith.addi %add3A_424, %add3A_430 : i32
        %get3A_432 = arith.index_cast %add3A_431 : i32 to index
        %get3A_433 = tpu.vector_load %arg8[%get3A_432] {strides = array<i32>} : memref<24576xf32, #tpu.memory_space<vmem>>, vector<16xf32>,
        %mul3A_434 = vector.broadcast %squeeze3A_420 : f32 to vector<16xf32>
        %mul3A_435 = arith.mulf %get3A_433, %mul3A_434 : vector<16xf32>
        %add3A_436 = arith.addf %add3A_418, %mul3A_435 : vector<16xf32>
        %slice3A_437 = vector.extract_strided_slice %get3A_41 {offsets = [4], sizes = [1], strides = [1]} : vector<16xf32> to vector<1xf32>
        %squeeze3A_438 = vector.extract %slice3A_437[0] : f32 from vector<1xf32>
        %mul3A_439 = arith.constant 768 : i32
        %mul3A_440 = arith.muli %scan3A_31, %mul3A_439 : i32
        %add3A_441 = arith.constant 640 : i32
        %add3A_442 = arith.addi %mul3A_440, %add3A_441 : i32
        %get3A_443 = arith.index_cast %add3A_442 : i32 to index
        %get3A_444 = tpu.vector_load %arg8[%get3A_443] {strides = array<i32>} : memref<24576xf32, #tpu.memory_space<vmem>>, vector<16xf32>,
        %mul3A_445 = vector.broadcast %squeeze3A_438 : f32 to vector<16xf32>
        %mul3A_446 = arith.mulf %get3A_444, %mul3A_445 : vector<16xf32>
        %add3A_447 = arith.addf %add3A_429, %mul3A_446 : vector<16xf32>
        %add3A_448 = arith.constant 16 : i32
        %add3A_449 = arith.addi %add3A_442, %add3A_448 : i32
        %get3A_450 = arith.index_cast %add3A_449 : i32 to index
        %get3A_451 = tpu.vector_load %arg8[%get3A_450] {strides = array<i32>} : memref<24576xf32, #tpu.memory_space<vmem>>, vector<16xf32>,
        %mul3A_452 = vector.broadcast %squeeze3A_438 : f32 to vector<16xf32>
        %mul3A_453 = arith.mulf %get3A_451, %mul3A_452 : vector<16xf32>
        %add3A_454 = arith.addf %add3A_436, %mul3A_453 : vector<16xf32>
        %slice3A_455 = vector.extract_strided_slice %get3A_41 {offsets = [5], sizes = [1], strides = [1]} : vector<16xf32> to vector<1xf32>
        %squeeze3A_456 = vector.extract %slice3A_455[0] : f32 from vector<1xf32>
        %mul3A_457 = arith.constant 768 : i32
        %mul3A_458 = arith.muli %scan3A_31, %mul3A_457 : i32
        %add3A_459 = arith.constant 672 : i32
        %add3A_460 = arith.addi %mul3A_458, %add3A_459 : i32
        %get3A_461 = arith.index_cast %add3A_460 : i32 to index
        %get3A_462 = tpu.vector_load %arg8[%get3A_461] {strides = array<i32>} : memref<24576xf32, #tpu.memory_space<vmem>>, vector<16xf32>,
        %mul3A_463 = vector.broadcast %squeeze3A_456 : f32 to vector<16xf32>
        %mul3A_464 = arith.mulf %get3A_462, %mul3A_463 : vector<16xf32>
        %add3A_465 = arith.addf %add3A_447, %mul3A_464 : vector<16xf32>
        %add3A_466 = arith.constant 16 : i32
        %add3A_467 = arith.addi %add3A_460, %add3A_466 : i32
        %get3A_468 = arith.index_cast %add3A_467 : i32 to index
        %get3A_469 = tpu.vector_load %arg8[%get3A_468] {strides = array<i32>} : memref<24576xf32, #tpu.memory_space<vmem>>, vector<16xf32>,
        %mul3A_470 = vector.broadcast %squeeze3A_456 : f32 to vector<16xf32>
        %mul3A_471 = arith.mulf %get3A_469, %mul3A_470 : vector<16xf32>
        %add3A_472 = arith.addf %add3A_454, %mul3A_471 : vector<16xf32>
        %slice3A_473 = vector.extract_strided_slice %get3A_41 {offsets = [6], sizes = [1], strides = [1]} : vector<16xf32> to vector<1xf32>
        %squeeze3A_474 = vector.extract %slice3A_473[0] : f32 from vector<1xf32>
        %mul3A_475 = arith.constant 768 : i32
        %mul3A_476 = arith.muli %scan3A_31, %mul3A_475 : i32
        %add3A_477 = arith.constant 704 : i32
        %add3A_478 = arith.addi %mul3A_476, %add3A_477 : i32
        %get3A_479 = arith.index_cast %add3A_478 : i32 to index
        %get3A_480 = tpu.vector_load %arg8[%get3A_479] {strides = array<i32>} : memref<24576xf32, #tpu.memory_space<vmem>>, vector<16xf32>,
        %mul3A_481 = vector.broadcast %squeeze3A_474 : f32 to vector<16xf32>
        %mul3A_482 = arith.mulf %get3A_480, %mul3A_481 : vector<16xf32>
        %add3A_483 = arith.addf %add3A_465, %mul3A_482 : vector<16xf32>
        %add3A_484 = arith.constant 16 : i32
        %add3A_485 = arith.addi %add3A_478, %add3A_484 : i32
        %get3A_486 = arith.index_cast %add3A_485 : i32 to index
        %get3A_487 = tpu.vector_load %arg8[%get3A_486] {strides = array<i32>} : memref<24576xf32, #tpu.memory_space<vmem>>, vector<16xf32>,
        %mul3A_488 = vector.broadcast %squeeze3A_474 : f32 to vector<16xf32>
        %mul3A_489 = arith.mulf %get3A_487, %mul3A_488 : vector<16xf32>
        %add3A_490 = arith.addf %add3A_472, %mul3A_489 : vector<16xf32>
        %slice3A_491 = vector.extract_strided_slice %get3A_41 {offsets = [7], sizes = [1], strides = [1]} : vector<16xf32> to vector<1xf32>
        %squeeze3A_492 = vector.extract %slice3A_491[0] : f32 from vector<1xf32>
        %mul3A_493 = arith.constant 768 : i32
        %mul3A_494 = arith.muli %scan3A_31, %mul3A_493 : i32
        %add3A_495 = arith.constant 736 : i32
        %add3A_496 = arith.addi %mul3A_494, %add3A_495 : i32
        %get3A_497 = arith.index_cast %add3A_496 : i32 to index
        %get3A_498 = tpu.vector_load %arg8[%get3A_497] {strides = array<i32>} : memref<24576xf32, #tpu.memory_space<vmem>>, vector<16xf32>,
        %mul3A_499 = vector.broadcast %squeeze3A_492 : f32 to vector<16xf32>
        %mul3A_500 = arith.mulf %get3A_498, %mul3A_499 : vector<16xf32>
        %add3A_501 = arith.addf %add3A_483, %mul3A_500 : vector<16xf32>
        %add3A_502 = arith.constant 16 : i32
        %add3A_503 = arith.addi %add3A_496, %add3A_502 : i32
        %get3A_504 = arith.index_cast %add3A_503 : i32 to index
        %get3A_505 = tpu.vector_load %arg8[%get3A_504] {strides = array<i32>} : memref<24576xf32, #tpu.memory_space<vmem>>, vector<16xf32>,
        %mul3A_506 = vector.broadcast %squeeze3A_492 : f32 to vector<16xf32>
        %mul3A_507 = arith.mulf %get3A_505, %mul3A_506 : vector<16xf32>
        %add3A_508 = arith.addf %add3A_490, %mul3A_507 : vector<16xf32>
        %max3A_509 = arith.constant 1.000000e-10 : f32
        %max3A_510 = vector.broadcast %max3A_509 : f32 to vector<16xf32>
        %max3A_511 = arith.maximumf %add3A_501, %max3A_510 : vector<16xf32>
        %max3A_512 = arith.constant 1.000000e-10 : f32
        %max3A_513 = vector.broadcast %max3A_512 : f32 to vector<16xf32>
        %max3A_514 = arith.maximumf %add3A_508, %max3A_513 : vector<16xf32>
        %mul3A_515 = arith.mulf %mul3A_395, %max3A_511 : vector<16xf32>
        %mul3A_516 = arith.mulf %mul3A_396, %max3A_514 : vector<16xf32>
        %bitcast3A = vector.bitcast %mul3A_515 : vector<16xf32> to vector<16xi32>
        %shift_right_arithmetic3A = arith.constant 23 : i32
        %shift_right_arithmetic3A_517 = vector.broadcast %shift_right_arithmetic3A : i32 to vector<16xi32>
        %shift_right_arithmetic3A_518 = arith.shrsi %bitcast3A, %shift_right_arithmetic3A_517 : vector<16xi32>
        %sub3A = arith.constant 127 : i32
        %sub3A_519 = vector.broadcast %sub3A : i32 to vector<16xi32>
        %sub3A_520 = arith.subi %shift_right_arithmetic3A_518, %sub3A_519 : vector<16xi32>
        %and3A_521 = arith.constant 8388607 : i32
        %and3A_522 = vector.broadcast %and3A_521 : i32 to vector<16xi32>
        %and3A_523 = arith.andi %bitcast3A, %and3A_522 : vector<16xi32>
        %or3A = arith.constant 1065353216 : i32
        %or3A_524 = vector.broadcast %or3A : i32 to vector<16xi32>
        %or3A_525 = arith.ori %and3A_523, %or3A_524 : vector<16xi32>
        %bitcast3A_526 = vector.bitcast %or3A_525 : vector<16xi32> to vector<16xf32>
        %gt3A = arith.constant 1.41421354 : f32
        %gt3A_527 = vector.broadcast %gt3A : f32 to vector<16xf32>
        %gt3A_528 = arith.cmpf ogt, %bitcast3A_526, %gt3A_527 : vector<16xf32>
        %mul3A_529 = arith.constant 5.000000e-01 : f32
        %mul3A_530 = vector.broadcast %mul3A_529 : f32 to vector<16xf32>
        %mul3A_531 = arith.mulf %bitcast3A_526, %mul3A_530 : vector<16xf32>
        %select_n3A = arith.select %gt3A_528, %mul3A_531, %bitcast3A_526 : vector<16xi1>, vector<16xf32>
        %add3A_532 = arith.constant 1 : i32
        %add3A_533 = vector.broadcast %add3A_532 : i32 to vector<16xi32>
        %add3A_534 = arith.addi %sub3A_520, %add3A_533 : vector<16xi32>
        %select_n3A_535 = arith.select %gt3A_528, %add3A_534, %sub3A_520 : vector<16xi1>, vector<16xi32>
        %sub3A_536 = arith.constant 1.000000e+00 : f32
        %sub3A_537 = vector.broadcast %sub3A_536 : f32 to vector<16xf32>
        %sub3A_538 = arith.subf %select_n3A, %sub3A_537 : vector<16xf32>
        %add3A_539 = arith.constant 1.000000e+00 : f32
        %add3A_540 = vector.broadcast %add3A_539 : f32 to vector<16xf32>
        %add3A_541 = arith.addf %select_n3A, %add3A_540 : vector<16xf32>
        %div3A = arith.divf %sub3A_538, %add3A_541 : vector<16xf32>
        %mul3A_542 = arith.mulf %div3A, %div3A : vector<16xf32>
        %mul3A_543 = arith.constant 0.111111112 : f32
        %mul3A_544 = vector.broadcast %mul3A_543 : f32 to vector<16xf32>
        %mul3A_545 = arith.mulf %mul3A_544, %mul3A_542 : vector<16xf32>
        %add3A_546 = arith.constant 0.142857149 : f32
        %add3A_547 = vector.broadcast %add3A_546 : f32 to vector<16xf32>
        %add3A_548 = arith.addf %mul3A_545, %add3A_547 : vector<16xf32>
        %mul3A_549 = arith.mulf %add3A_548, %mul3A_542 : vector<16xf32>
        %add3A_550 = arith.constant 2.000000e-01 : f32
        %add3A_551 = vector.broadcast %add3A_550 : f32 to vector<16xf32>
        %add3A_552 = arith.addf %mul3A_549, %add3A_551 : vector<16xf32>
        %mul3A_553 = arith.mulf %add3A_552, %mul3A_542 : vector<16xf32>
        %add3A_554 = arith.constant 0.333333343 : f32
        %add3A_555 = vector.broadcast %add3A_554 : f32 to vector<16xf32>
        %add3A_556 = arith.addf %mul3A_553, %add3A_555 : vector<16xf32>
        %mul3A_557 = arith.mulf %add3A_556, %mul3A_542 : vector<16xf32>
        %add3A_558 = arith.constant 1.000000e+00 : f32
        %add3A_559 = vector.broadcast %add3A_558 : f32 to vector<16xf32>
        %add3A_560 = arith.addf %mul3A_557, %add3A_559 : vector<16xf32>
        %convert_element_type3A_561 = arith.sitofp %select_n3A_535 : vector<16xi32> to vector<16xf32>
        %mul3A_562 = arith.constant 0.693147182 : f32
        %mul3A_563 = vector.broadcast %mul3A_562 : f32 to vector<16xf32>
        %mul3A_564 = arith.mulf %convert_element_type3A_561, %mul3A_563 : vector<16xf32>
        %mul3A_565 = arith.constant 2.000000e+00 : f32
        %mul3A_566 = vector.broadcast %mul3A_565 : f32 to vector<16xf32>
        %mul3A_567 = arith.mulf %mul3A_566, %div3A : vector<16xf32>
        %mul3A_568 = arith.mulf %mul3A_567, %add3A_560 : vector<16xf32>
        %add3A_569 = arith.addf %mul3A_564, %mul3A_568 : vector<16xf32>
        %add3A_570 = arith.addf %scan3A_32, %add3A_569 : vector<16xf32>
        %bitcast3A_571 = vector.bitcast %mul3A_516 : vector<16xf32> to vector<16xi32>
        %shift_right_arithmetic3A_572 = arith.constant 23 : i32
        %shift_right_arithmetic3A_573 = vector.broadcast %shift_right_arithmetic3A_572 : i32 to vector<16xi32>
        %shift_right_arithmetic3A_574 = arith.shrsi %bitcast3A_571, %shift_right_arithmetic3A_573 : vector<16xi32>
        %sub3A_575 = arith.constant 127 : i32
        %sub3A_576 = vector.broadcast %sub3A_575 : i32 to vector<16xi32>
        %sub3A_577 = arith.subi %shift_right_arithmetic3A_574, %sub3A_576 : vector<16xi32>
        %and3A_578 = arith.constant 8388607 : i32
        %and3A_579 = vector.broadcast %and3A_578 : i32 to vector<16xi32>
        %and3A_580 = arith.andi %bitcast3A_571, %and3A_579 : vector<16xi32>
        %or3A_581 = arith.constant 1065353216 : i32
        %or3A_582 = vector.broadcast %or3A_581 : i32 to vector<16xi32>
        %or3A_583 = arith.ori %and3A_580, %or3A_582 : vector<16xi32>
        %bitcast3A_584 = vector.bitcast %or3A_583 : vector<16xi32> to vector<16xf32>
        %gt3A_585 = arith.constant 1.41421354 : f32
        %gt3A_586 = vector.broadcast %gt3A_585 : f32 to vector<16xf32>
        %gt3A_587 = arith.cmpf ogt, %bitcast3A_584, %gt3A_586 : vector<16xf32>
        %mul3A_588 = arith.constant 5.000000e-01 : f32
        %mul3A_589 = vector.broadcast %mul3A_588 : f32 to vector<16xf32>
        %mul3A_590 = arith.mulf %bitcast3A_584, %mul3A_589 : vector<16xf32>
        %select_n3A_591 = arith.select %gt3A_587, %mul3A_590, %bitcast3A_584 : vector<16xi1>, vector<16xf32>
        %add3A_592 = arith.constant 1 : i32
        %add3A_593 = vector.broadcast %add3A_592 : i32 to vector<16xi32>
        %add3A_594 = arith.addi %sub3A_577, %add3A_593 : vector<16xi32>
        %select_n3A_595 = arith.select %gt3A_587, %add3A_594, %sub3A_577 : vector<16xi1>, vector<16xi32>
        %sub3A_596 = arith.constant 1.000000e+00 : f32
        %sub3A_597 = vector.broadcast %sub3A_596 : f32 to vector<16xf32>
        %sub3A_598 = arith.subf %select_n3A_591, %sub3A_597 : vector<16xf32>
        %add3A_599 = arith.constant 1.000000e+00 : f32
        %add3A_600 = vector.broadcast %add3A_599 : f32 to vector<16xf32>
        %add3A_601 = arith.addf %select_n3A_591, %add3A_600 : vector<16xf32>
        %div3A_602 = arith.divf %sub3A_598, %add3A_601 : vector<16xf32>
        %mul3A_603 = arith.mulf %div3A_602, %div3A_602 : vector<16xf32>
        %mul3A_604 = arith.constant 0.111111112 : f32
        %mul3A_605 = vector.broadcast %mul3A_604 : f32 to vector<16xf32>
        %mul3A_606 = arith.mulf %mul3A_605, %mul3A_603 : vector<16xf32>
        %add3A_607 = arith.constant 0.142857149 : f32
        %add3A_608 = vector.broadcast %add3A_607 : f32 to vector<16xf32>
        %add3A_609 = arith.addf %mul3A_606, %add3A_608 : vector<16xf32>
        %mul3A_610 = arith.mulf %add3A_609, %mul3A_603 : vector<16xf32>
        %add3A_611 = arith.constant 2.000000e-01 : f32
        %add3A_612 = vector.broadcast %add3A_611 : f32 to vector<16xf32>
        %add3A_613 = arith.addf %mul3A_610, %add3A_612 : vector<16xf32>
        %mul3A_614 = arith.mulf %add3A_613, %mul3A_603 : vector<16xf32>
        %add3A_615 = arith.constant 0.333333343 : f32
        %add3A_616 = vector.broadcast %add3A_615 : f32 to vector<16xf32>
        %add3A_617 = arith.addf %mul3A_614, %add3A_616 : vector<16xf32>
        %mul3A_618 = arith.mulf %add3A_617, %mul3A_603 : vector<16xf32>
        %add3A_619 = arith.constant 1.000000e+00 : f32
        %add3A_620 = vector.broadcast %add3A_619 : f32 to vector<16xf32>
        %add3A_621 = arith.addf %mul3A_618, %add3A_620 : vector<16xf32>
        %convert_element_type3A_622 = arith.sitofp %select_n3A_595 : vector<16xi32> to vector<16xf32>
        %mul3A_623 = arith.constant 0.693147182 : f32
        %mul3A_624 = vector.broadcast %mul3A_623 : f32 to vector<16xf32>
        %mul3A_625 = arith.mulf %convert_element_type3A_622, %mul3A_624 : vector<16xf32>
        %mul3A_626 = arith.constant 2.000000e+00 : f32
        %mul3A_627 = vector.broadcast %mul3A_626 : f32 to vector<16xf32>
        %mul3A_628 = arith.mulf %mul3A_627, %div3A_602 : vector<16xf32>
        %mul3A_629 = arith.mulf %mul3A_628, %add3A_621 : vector<16xf32>
        %add3A_630 = arith.addf %mul3A_625, %mul3A_629 : vector<16xf32>
        %add3A_631 = arith.addf %scan3A_33, %add3A_630 : vector<16xf32>
        scf.yield %add3A_570, %add3A_631 : vector<16xf32>, vector<16xf32>
      }
      %scan3A_27 = arith.constant 32 : i32
      %swap3A = arith.constant 0 : index
      %swap3A_28 = tpu.vector_load %arg13[%swap3A] {strides = array<i32>} : memref<32xf32, #tpu.memory_space<vmem>>, vector<16xf32>,
      tpu.vector_store %arg13[%swap3A], %scan3A_26#0 {strides = array<i32>} : memref<32xf32, #tpu.memory_space<vmem>>, vector<16xf32>,
      %swap3A_29 = arith.constant 16 : index
      %swap3A_30 = tpu.vector_load %arg13[%swap3A_29] {strides = array<i32>} : memref<32xf32, #tpu.memory_space<vmem>>, vector<16xf32>,
      tpu.vector_store %arg13[%swap3A_29], %scan3A_26#1 {strides = array<i32>} : memref<32xf32, #tpu.memory_space<vmem>>, vector<16xf32>,
      "tpu.region"() ({
        %run_scoped3A = tpu.sem_alloc : memref<!tpu.dma_semaphore, #tpu.memory_space<semaphore_mem>>
        %dma_start3A_31 = arith.constant 0 : i32
        %dma_start3A_32 = tpu.memref_slice %arg6[%arg1, %dma_start3A_31] : memref<16x32xf32, #tpu.memory_space<hbm>> -> memref<1x32xf32, #tpu.memory_space<hbm>>
        %dma_start3A_33 = tpu.memref_squeeze %dma_start3A_32 : memref<1x32xf32, #tpu.memory_space<hbm>> -> memref<32xf32, #tpu.memory_space<hbm>>
        %dma_start3A_34 = arith.constant 0 : i32
        %dma_start3A_35 = tpu.memref_slice %arg6[%arg1, %dma_start3A_34] : memref<16x32xf32, #tpu.memory_space<hbm>> -> memref<1x32xf32, #tpu.memory_space<hbm>>
        %dma_start3A_36 = tpu.memref_squeeze %dma_start3A_35 : memref<1x32xf32, #tpu.memory_space<hbm>> -> memref<32xf32, #tpu.memory_space<hbm>>
        tpu.enqueue_dma source(%arg13 : memref<32xf32, #tpu.memory_space<vmem>>) target(%dma_start3A_36 : memref<32xf32, #tpu.memory_space<hbm>>) target_semaphore(%run_scoped3A : memref<!tpu.dma_semaphore, #tpu.memory_space<semaphore_mem>>)
        %dma_wait3A_37 = arith.constant 0 : i32
        %dma_wait3A_38 = tpu.memref_slice %arg6[%arg1, %dma_wait3A_37] : memref<16x32xf32, #tpu.memory_space<hbm>> -> memref<1x32xf32, #tpu.memory_space<hbm>>
        %dma_wait3A_39 = tpu.memref_squeeze %dma_wait3A_38 : memref<1x32xf32, #tpu.memory_space<hbm>> -> memref<32xf32, #tpu.memory_space<hbm>>
        %dma_wait3A_40 = arith.constant 0 : i32
        %dma_wait3A_41 = tpu.memref_slice %arg6[%arg1, %dma_wait3A_40] : memref<16x32xf32, #tpu.memory_space<hbm>> -> memref<1x32xf32, #tpu.memory_space<hbm>>
        %dma_wait3A_42 = tpu.memref_squeeze %dma_wait3A_41 : memref<1x32xf32, #tpu.memory_space<hbm>> -> memref<32xf32, #tpu.memory_space<hbm>>
        tpu.wait_dma2 semaphore(%run_scoped3A : memref<!tpu.dma_semaphore, #tpu.memory_space<semaphore_mem>>) src(%arg13 : memref<32xf32, #tpu.memory_space<vmem>>) dst(%dma_wait3A_42 : memref<32xf32, #tpu.memory_space<hbm>>)
        tpu.yield
      }) : () -> ()
    } else {
    }
    %barrier3A = arith.constant 0 : index
    tpu.barrier barrier_id(%barrier3A)
    %eq3A_2 = arith.constant 0 : i32
    %eq3A_3 = arith.cmpi eq, %arg0, %eq3A_2 : i32
    %eq3A_4 = arith.constant 0 : i32
    %eq3A_5 = arith.cmpi eq, %arg1, %eq3A_4 : i32
    %and3A = arith.andi %eq3A_3, %eq3A_5 : i1
    %convert_element_type3A_6 = arith.extui %and3A : i1 to i32
    %cond3A_7 = arith.constant 0 : i32
    %cond3A_8 = arith.cmpi ne, %convert_element_type3A_6, %cond3A_7 : i32
    scf.if %cond3A_8 {
      "tpu.region"() ({
        %run_scoped3A = tpu.sem_alloc : memref<!tpu.dma_semaphore, #tpu.memory_space<semaphore_mem>>
        tpu.enqueue_dma source(%arg6 : memref<16x32xf32, #tpu.memory_space<hbm>>) target(%arg14 : memref<16x32xf32, #tpu.memory_space<vmem>>) target_semaphore(%run_scoped3A : memref<!tpu.dma_semaphore, #tpu.memory_space<semaphore_mem>>)
        tpu.wait_dma2 semaphore(%run_scoped3A : memref<!tpu.dma_semaphore, #tpu.memory_space<semaphore_mem>>) src(%arg6 : memref<16x32xf32, #tpu.memory_space<hbm>>) dst(%arg14 : memref<16x32xf32, #tpu.memory_space<vmem>>)
        tpu.yield
      }) : () -> ()
      %broadcast_in_dim3A = arith.constant 0.000000e+00 : f32
      %broadcast_in_dim3A_9 = vector.broadcast %broadcast_in_dim3A : f32 to vector<16xf32>
      %broadcast_in_dim3A_10 = arith.constant 0.000000e+00 : f32
      %broadcast_in_dim3A_11 = vector.broadcast %broadcast_in_dim3A_10 : f32 to vector<16xf32>
      %get3A = arith.constant 0 : i32
      %get3A_12 = arith.index_cast %get3A : i32 to index
      %get3A_13 = arith.constant 0 : index
      %get3A_14 = tpu.vector_load %arg14[%get3A_12, %get3A_13] {strides = array<i32>} : memref<16x32xf32, #tpu.memory_space<vmem>>, vector<16xf32>,
      %add3A = arith.addf %broadcast_in_dim3A_9, %get3A_14 : vector<16xf32>
      %get3A_15 = arith.constant 0 : i32
      %get3A_16 = arith.index_cast %get3A_15 : i32 to index
      %get3A_17 = arith.constant 16 : index
      %get3A_18 = tpu.vector_load %arg14[%get3A_16, %get3A_17] {strides = array<i32>} : memref<16x32xf32, #tpu.memory_space<vmem>>, vector<16xf32>,
      %add3A_19 = arith.addf %broadcast_in_dim3A_11, %get3A_18 : vector<16xf32>
      %get3A_20 = arith.constant 1 : i32
      %get3A_21 = arith.index_cast %get3A_20 : i32 to index
      %get3A_22 = arith.constant 0 : index
      %get3A_23 = tpu.vector_load %arg14[%get3A_21, %get3A_22] {strides = array<i32>} : memref<16x32xf32, #tpu.memory_space<vmem>>, vector<16xf32>,
      %add3A_24 = arith.addf %add3A, %get3A_23 : vector<16xf32>
      %get3A_25 = arith.constant 1 : i32
      %get3A_26 = arith.index_cast %get3A_25 : i32 to index
      %get3A_27 = arith.constant 16 : index
      %get3A_28 = tpu.vector_load %arg14[%get3A_26, %get3A_27] {strides = array<i32>} : memref<16x32xf32, #tpu.memory_space<vmem>>, vector<16xf32>,
      %add3A_29 = arith.addf %add3A_19, %get3A_28 : vector<16xf32>
      %get3A_30 = arith.constant 2 : i32
      %get3A_31 = arith.index_cast %get3A_30 : i32 to index
      %get3A_32 = arith.constant 0 : index
      %get3A_33 = tpu.vector_load %arg14[%get3A_31, %get3A_32] {strides = array<i32>} : memref<16x32xf32, #tpu.memory_space<vmem>>, vector<16xf32>,
      %add3A_34 = arith.addf %add3A_24, %get3A_33 : vector<16xf32>
      %get3A_35 = arith.constant 2 : i32
      %get3A_36 = arith.index_cast %get3A_35 : i32 to index
      %get3A_37 = arith.constant 16 : index
      %get3A_38 = tpu.vector_load %arg14[%get3A_36, %get3A_37] {strides = array<i32>} : memref<16x32xf32, #tpu.memory_space<vmem>>, vector<16xf32>,
      %add3A_39 = arith.addf %add3A_29, %get3A_38 : vector<16xf32>
      %get3A_40 = arith.constant 3 : i32
      %get3A_41 = arith.index_cast %get3A_40 : i32 to index
      %get3A_42 = arith.constant 0 : index
      %get3A_43 = tpu.vector_load %arg14[%get3A_41, %get3A_42] {strides = array<i32>} : memref<16x32xf32, #tpu.memory_space<vmem>>, vector<16xf32>,
      %add3A_44 = arith.addf %add3A_34, %get3A_43 : vector<16xf32>
      %get3A_45 = arith.constant 3 : i32
      %get3A_46 = arith.index_cast %get3A_45 : i32 to index
      %get3A_47 = arith.constant 16 : index
      %get3A_48 = tpu.vector_load %arg14[%get3A_46, %get3A_47] {strides = array<i32>} : memref<16x32xf32, #tpu.memory_space<vmem>>, vector<16xf32>,
      %add3A_49 = arith.addf %add3A_39, %get3A_48 : vector<16xf32>
      %get3A_50 = arith.constant 4 : i32
      %get3A_51 = arith.index_cast %get3A_50 : i32 to index
      %get3A_52 = arith.constant 0 : index
      %get3A_53 = tpu.vector_load %arg14[%get3A_51, %get3A_52] {strides = array<i32>} : memref<16x32xf32, #tpu.memory_space<vmem>>, vector<16xf32>,
      %add3A_54 = arith.addf %add3A_44, %get3A_53 : vector<16xf32>
      %get3A_55 = arith.constant 4 : i32
      %get3A_56 = arith.index_cast %get3A_55 : i32 to index
      %get3A_57 = arith.constant 16 : index
      %get3A_58 = tpu.vector_load %arg14[%get3A_56, %get3A_57] {strides = array<i32>} : memref<16x32xf32, #tpu.memory_space<vmem>>, vector<16xf32>,
      %add3A_59 = arith.addf %add3A_49, %get3A_58 : vector<16xf32>
      %get3A_60 = arith.constant 5 : i32
      %get3A_61 = arith.index_cast %get3A_60 : i32 to index
      %get3A_62 = arith.constant 0 : index
      %get3A_63 = tpu.vector_load %arg14[%get3A_61, %get3A_62] {strides = array<i32>} : memref<16x32xf32, #tpu.memory_space<vmem>>, vector<16xf32>,
      %add3A_64 = arith.addf %add3A_54, %get3A_63 : vector<16xf32>
      %get3A_65 = arith.constant 5 : i32
      %get3A_66 = arith.index_cast %get3A_65 : i32 to index
      %get3A_67 = arith.constant 16 : index
      %get3A_68 = tpu.vector_load %arg14[%get3A_66, %get3A_67] {strides = array<i32>} : memref<16x32xf32, #tpu.memory_space<vmem>>, vector<16xf32>,
      %add3A_69 = arith.addf %add3A_59, %get3A_68 : vector<16xf32>
      %get3A_70 = arith.constant 6 : i32
      %get3A_71 = arith.index_cast %get3A_70 : i32 to index
      %get3A_72 = arith.constant 0 : index
      %get3A_73 = tpu.vector_load %arg14[%get3A_71, %get3A_72] {strides = array<i32>} : memref<16x32xf32, #tpu.memory_space<vmem>>, vector<16xf32>,
      %add3A_74 = arith.addf %add3A_64, %get3A_73 : vector<16xf32>
      %get3A_75 = arith.constant 6 : i32
      %get3A_76 = arith.index_cast %get3A_75 : i32 to index
      %get3A_77 = arith.constant 16 : index
      %get3A_78 = tpu.vector_load %arg14[%get3A_76, %get3A_77] {strides = array<i32>} : memref<16x32xf32, #tpu.memory_space<vmem>>, vector<16xf32>,
      %add3A_79 = arith.addf %add3A_69, %get3A_78 : vector<16xf32>
      %get3A_80 = arith.constant 7 : i32
      %get3A_81 = arith.index_cast %get3A_80 : i32 to index
      %get3A_82 = arith.constant 0 : index
      %get3A_83 = tpu.vector_load %arg14[%get3A_81, %get3A_82] {strides = array<i32>} : memref<16x32xf32, #tpu.memory_space<vmem>>, vector<16xf32>,
      %add3A_84 = arith.addf %add3A_74, %get3A_83 : vector<16xf32>
      %get3A_85 = arith.constant 7 : i32
      %get3A_86 = arith.index_cast %get3A_85 : i32 to index
      %get3A_87 = arith.constant 16 : index
      %get3A_88 = tpu.vector_load %arg14[%get3A_86, %get3A_87] {strides = array<i32>} : memref<16x32xf32, #tpu.memory_space<vmem>>, vector<16xf32>,
      %add3A_89 = arith.addf %add3A_79, %get3A_88 : vector<16xf32>
      %get3A_90 = arith.constant 8 : i32
      %get3A_91 = arith.index_cast %get3A_90 : i32 to index
      %get3A_92 = arith.constant 0 : index
      %get3A_93 = tpu.vector_load %arg14[%get3A_91, %get3A_92] {strides = array<i32>} : memref<16x32xf32, #tpu.memory_space<vmem>>, vector<16xf32>,
      %add3A_94 = arith.addf %add3A_84, %get3A_93 : vector<16xf32>
      %get3A_95 = arith.constant 8 : i32
      %get3A_96 = arith.index_cast %get3A_95 : i32 to index
      %get3A_97 = arith.constant 16 : index
      %get3A_98 = tpu.vector_load %arg14[%get3A_96, %get3A_97] {strides = array<i32>} : memref<16x32xf32, #tpu.memory_space<vmem>>, vector<16xf32>,
      %add3A_99 = arith.addf %add3A_89, %get3A_98 : vector<16xf32>
      %get3A_100 = arith.constant 9 : i32
      %get3A_101 = arith.index_cast %get3A_100 : i32 to index
      %get3A_102 = arith.constant 0 : index
      %get3A_103 = tpu.vector_load %arg14[%get3A_101, %get3A_102] {strides = array<i32>} : memref<16x32xf32, #tpu.memory_space<vmem>>, vector<16xf32>,
      %add3A_104 = arith.addf %add3A_94, %get3A_103 : vector<16xf32>
      %get3A_105 = arith.constant 9 : i32
      %get3A_106 = arith.index_cast %get3A_105 : i32 to index
      %get3A_107 = arith.constant 16 : index
      %get3A_108 = tpu.vector_load %arg14[%get3A_106, %get3A_107] {strides = array<i32>} : memref<16x32xf32, #tpu.memory_space<vmem>>, vector<16xf32>,
      %add3A_109 = arith.addf %add3A_99, %get3A_108 : vector<16xf32>
      %get3A_110 = arith.constant 10 : i32
      %get3A_111 = arith.index_cast %get3A_110 : i32 to index
      %get3A_112 = arith.constant 0 : index
      %get3A_113 = tpu.vector_load %arg14[%get3A_111, %get3A_112] {strides = array<i32>} : memref<16x32xf32, #tpu.memory_space<vmem>>, vector<16xf32>,
      %add3A_114 = arith.addf %add3A_104, %get3A_113 : vector<16xf32>
      %get3A_115 = arith.constant 10 : i32
      %get3A_116 = arith.index_cast %get3A_115 : i32 to index
      %get3A_117 = arith.constant 16 : index
      %get3A_118 = tpu.vector_load %arg14[%get3A_116, %get3A_117] {strides = array<i32>} : memref<16x32xf32, #tpu.memory_space<vmem>>, vector<16xf32>,
      %add3A_119 = arith.addf %add3A_109, %get3A_118 : vector<16xf32>
      %get3A_120 = arith.constant 11 : i32
      %get3A_121 = arith.index_cast %get3A_120 : i32 to index
      %get3A_122 = arith.constant 0 : index
      %get3A_123 = tpu.vector_load %arg14[%get3A_121, %get3A_122] {strides = array<i32>} : memref<16x32xf32, #tpu.memory_space<vmem>>, vector<16xf32>,
      %add3A_124 = arith.addf %add3A_114, %get3A_123 : vector<16xf32>
      %get3A_125 = arith.constant 11 : i32
      %get3A_126 = arith.index_cast %get3A_125 : i32 to index
      %get3A_127 = arith.constant 16 : index
      %get3A_128 = tpu.vector_load %arg14[%get3A_126, %get3A_127] {strides = array<i32>} : memref<16x32xf32, #tpu.memory_space<vmem>>, vector<16xf32>,
      %add3A_129 = arith.addf %add3A_119, %get3A_128 : vector<16xf32>
      %get3A_130 = arith.constant 12 : i32
      %get3A_131 = arith.index_cast %get3A_130 : i32 to index
      %get3A_132 = arith.constant 0 : index
      %get3A_133 = tpu.vector_load %arg14[%get3A_131, %get3A_132] {strides = array<i32>} : memref<16x32xf32, #tpu.memory_space<vmem>>, vector<16xf32>,
      %add3A_134 = arith.addf %add3A_124, %get3A_133 : vector<16xf32>
      %get3A_135 = arith.constant 12 : i32
      %get3A_136 = arith.index_cast %get3A_135 : i32 to index
      %get3A_137 = arith.constant 16 : index
      %get3A_138 = tpu.vector_load %arg14[%get3A_136, %get3A_137] {strides = array<i32>} : memref<16x32xf32, #tpu.memory_space<vmem>>, vector<16xf32>,
      %add3A_139 = arith.addf %add3A_129, %get3A_138 : vector<16xf32>
      %get3A_140 = arith.constant 13 : i32
      %get3A_141 = arith.index_cast %get3A_140 : i32 to index
      %get3A_142 = arith.constant 0 : index
      %get3A_143 = tpu.vector_load %arg14[%get3A_141, %get3A_142] {strides = array<i32>} : memref<16x32xf32, #tpu.memory_space<vmem>>, vector<16xf32>,
      %add3A_144 = arith.addf %add3A_134, %get3A_143 : vector<16xf32>
      %get3A_145 = arith.constant 13 : i32
      %get3A_146 = arith.index_cast %get3A_145 : i32 to index
      %get3A_147 = arith.constant 16 : index
      %get3A_148 = tpu.vector_load %arg14[%get3A_146, %get3A_147] {strides = array<i32>} : memref<16x32xf32, #tpu.memory_space<vmem>>, vector<16xf32>,
      %add3A_149 = arith.addf %add3A_139, %get3A_148 : vector<16xf32>
      %get3A_150 = arith.constant 14 : i32
      %get3A_151 = arith.index_cast %get3A_150 : i32 to index
      %get3A_152 = arith.constant 0 : index
      %get3A_153 = tpu.vector_load %arg14[%get3A_151, %get3A_152] {strides = array<i32>} : memref<16x32xf32, #tpu.memory_space<vmem>>, vector<16xf32>,
      %add3A_154 = arith.addf %add3A_144, %get3A_153 : vector<16xf32>
      %get3A_155 = arith.constant 14 : i32
      %get3A_156 = arith.index_cast %get3A_155 : i32 to index
      %get3A_157 = arith.constant 16 : index
      %get3A_158 = tpu.vector_load %arg14[%get3A_156, %get3A_157] {strides = array<i32>} : memref<16x32xf32, #tpu.memory_space<vmem>>, vector<16xf32>,
      %add3A_159 = arith.addf %add3A_149, %get3A_158 : vector<16xf32>
      %get3A_160 = arith.constant 15 : i32
      %get3A_161 = arith.index_cast %get3A_160 : i32 to index
      %get3A_162 = arith.constant 0 : index
      %get3A_163 = tpu.vector_load %arg14[%get3A_161, %get3A_162] {strides = array<i32>} : memref<16x32xf32, #tpu.memory_space<vmem>>, vector<16xf32>,
      %add3A_164 = arith.addf %add3A_154, %get3A_163 : vector<16xf32>
      %get3A_165 = arith.constant 15 : i32
      %get3A_166 = arith.index_cast %get3A_165 : i32 to index
      %get3A_167 = arith.constant 16 : index
      %get3A_168 = tpu.vector_load %arg14[%get3A_166, %get3A_167] {strides = array<i32>} : memref<16x32xf32, #tpu.memory_space<vmem>>, vector<16xf32>,
      %add3A_169 = arith.addf %add3A_159, %get3A_168 : vector<16xf32>
      %mul3A = arith.constant 4.8828125E-4 : f32
      %mul3A_170 = vector.broadcast %mul3A : f32 to vector<16xf32>
      %mul3A_171 = arith.mulf %add3A_164, %mul3A_170 : vector<16xf32>
      %exp3A = math.exp %mul3A_171 : vector<16xf32>
      %sub3A = arith.constant 8.000000e-01 : f32
      %sub3A_172 = vector.broadcast %sub3A : f32 to vector<16xf32>
      %sub3A_173 = arith.subf %exp3A, %sub3A_172 : vector<16xf32>
      %mul3A_174 = arith.constant 4.8828125E-4 : f32
      %mul3A_175 = vector.broadcast %mul3A_174 : f32 to vector<16xf32>
      %mul3A_176 = arith.mulf %add3A_169, %mul3A_175 : vector<16xf32>
      %exp3A_177 = math.exp %mul3A_176 : vector<16xf32>
      %sub3A_178 = arith.constant 8.000000e-01 : f32
      %sub3A_179 = vector.broadcast %sub3A_178 : f32 to vector<16xf32>
      %sub3A_180 = arith.subf %exp3A_177, %sub3A_179 : vector<16xf32>
      %mul3A_181 = arith.mulf %sub3A_173, %sub3A_173 : vector<16xf32>
      %reduce_sum3A = arith.constant true
      %reduce_sum3A_182 = vector.broadcast %reduce_sum3A : i1 to vector<16xi1>
      %reduce_sum3A_183 = tpu.scan <sum>, %mul3A_181 masked %reduce_sum3A_182 : vector<16xf32>, vector<16xi1> -> vector<16xf32>
      %reduce_sum3A_184 = vector.extract %reduce_sum3A_183[15] : f32 from vector<16xf32>
      %mul3A_185 = arith.mulf %sub3A_180, %sub3A_180 : vector<16xf32>
      %reduce_sum3A_186 = arith.constant true
      %reduce_sum3A_187 = vector.broadcast %reduce_sum3A_186 : i1 to vector<16xi1>
      %reduce_sum3A_188 = tpu.scan <sum>, %mul3A_185 masked %reduce_sum3A_187 : vector<16xf32>, vector<16xi1> -> vector<16xf32>
      %reduce_sum3A_189 = vector.extract %reduce_sum3A_188[15] : f32 from vector<16xf32>
      %add3A_190 = arith.addf %reduce_sum3A_184, %reduce_sum3A_189 : f32
      %mul3A_191 = arith.constant 3.125000e-02 : f32
      %mul3A_192 = arith.mulf %add3A_190, %mul3A_191 : f32
      %broadcast_in_dim3A_193 = vector.broadcast %mul3A_192 : f32 to vector<16xf32>
      %swap3A = arith.constant 0 : index
      %swap3A_194 = tpu.vector_load %arg13[%swap3A] {strides = array<i32>} : memref<32xf32, #tpu.memory_space<vmem>>, vector<16xf32>,
      tpu.vector_store %arg13[%swap3A], %broadcast_in_dim3A_193 {strides = array<i32>} : memref<32xf32, #tpu.memory_space<vmem>>, vector<16xf32>,
      "tpu.region"() ({
        %run_scoped3A = tpu.sem_alloc : memref<!tpu.dma_semaphore, #tpu.memory_space<semaphore_mem>>
        %dma_start3A = arith.constant 0 : i32
        %dma_start3A_195 = tpu.memref_slice %arg13[%dma_start3A] : memref<32xf32, #tpu.memory_space<vmem>> -> memref<16xf32, #tpu.memory_space<vmem>>
        %dma_start3A_196 = arith.constant 0 : i32
        %dma_start3A_197 = tpu.memref_slice %arg13[%dma_start3A_196] : memref<32xf32, #tpu.memory_space<vmem>> -> memref<16xf32, #tpu.memory_space<vmem>>
        tpu.enqueue_dma source(%dma_start3A_197 : memref<16xf32, #tpu.memory_space<vmem>>) target(%arg7 : memref<16xf32, #tpu.memory_space<hbm>>) target_semaphore(%run_scoped3A : memref<!tpu.dma_semaphore, #tpu.memory_space<semaphore_mem>>)
        %dma_wait3A = arith.constant 0 : i32
        %dma_wait3A_198 = tpu.memref_slice %arg13[%dma_wait3A] : memref<32xf32, #tpu.memory_space<vmem>> -> memref<16xf32, #tpu.memory_space<vmem>>
        %dma_wait3A_199 = arith.constant 0 : i32
        %dma_wait3A_200 = tpu.memref_slice %arg13[%dma_wait3A_199] : memref<32xf32, #tpu.memory_space<vmem>> -> memref<16xf32, #tpu.memory_space<vmem>>
        tpu.wait_dma2 semaphore(%run_scoped3A : memref<!tpu.dma_semaphore, #tpu.memory_space<semaphore_mem>>) src(%dma_wait3A_200 : memref<16xf32, #tpu.memory_space<vmem>>) dst(%arg7 : memref<16xf32, #tpu.memory_space<hbm>>)
        tpu.yield
      }) : () -> ()
    } else {
    }
    return
  }
}

</mosaic_0001>

<sc_bundles>
// kernel: kernel.3.cloned.1.call-start
scs
__scs_entry_jumppad:
0x0: {  	(pc) =	sbr.rel $0x88, $3  }
0x1: {  	(tag) =	ssettag $0x0;
	lr =	simm.s32 $0x1  }
0x2: {  	[smem:$0x3F9D] =	sst lr;
	_ =	strace $0xD0000000  }
0x3: {  	_ = 	snop  }
0x4: {  	_ = 	snop  }
0x5: {  	_ = 	snop  }
0x6: {  	_ = 	snop  }
0x7: {  	_ = 	snop  }
__scs_overlays_trampoline_lowered:
0x8: {  	[smem:$0x3FAC] =	sst s0  }
0x9: {  	[smem:$0x3FAD] =	sst s1  }
0xa: {  	[smem:$0x3FAE] =	sst s2  }
0xb: {  	[smem:$0x3FAF] =	sst s3  }
0xc: {  	[smem:$0x3FB0] =	sst s4  }
0xd: {  	[smem:$0x3FB1] =	sst s5  }
0xe: {  	[smem:$0x3FB2] =	sst s6  }
0xf: {  	[smem:$0x3FB3] =	sst s7  }
0x10: {  	[smem:$0x3FB4] =	sst s8  }
0x11: {  	[smem:$0x3FB5] =	sst s9;
	s0 =	simm.s32 @!p0 $0x0  }
0x12: {  	s1 =	sld [smem:$0x3F9B];
	s0 =	simm.s32 @p0 $0x1  }
0x13: {  	[smem:$0x3FB6] =	sst s0;
	s0 =	simm.s32 @!p1 $0x0  }
0x14: {  	s2 =	sld [smem:$0x3F9A];
	s0 =	simm.s32 @p1 $0x1  }
0x15: {  	[smem:$0x3FB7] =	sst s0;
	s0 =	simm.s32 @!p2 $0x0  }
0x16: {  	s3 =	sld [smem:$0x3FDB];
	s0 =	simm.s32 @p2 $0x1  }
0x17: {  	s4 =	simm.s32 $0x1BF5;
	[smem:$0x3FB9] =	sst s0  }
0x18: {  	s0 =	sld [smem:$0x3F9C];
	_ =	swait.ge [sflag:s4], $0x0  }
0x19: {  	s7 =	sld [smem:$0x3F9D]  }
0x1a: {  	s8 =	sadd.s32 $0xFFFFE003, lr  }
0x1b: {  	s9 =	sadd.s32 $0xFFFFFEF7, lr;
	s5 =	simm.s32 $0xFFFFFFFF;
	p2 =	slt.u32 s8, $0xFFFFF086  }
0x1c: {  	p1 =	slt.u32 s9, $0xF7A;
	s5 =	simm.s32 @!p2 $0x0  }
0x1d: {  	s5 =	simm.s32 @p1 $0x1;
	p0 =	seq.s32 s7, s2  }
0x1e: {  	s7 =	smul.u32 @!p0 $0xF7A, s2;
	p2 =	seq.s32 @!p0 s5, $0x0  }
0x1f: {  	s9 =	smul.u32 $0xF7A, s1;
	s8 =	simm.s32 @!p0 $0x1BF5;
	p2 =	por !p2, p0  }
0x20: {  	[sflag:s8] =	ssyncset.s32 @!p0 $0xFFFFF086;
	s6 =	sadd.s32 @!p0 s3, s7;
	s7 =	simm.s32 @!p0 $0x108  }
0x21: {  	s3 =	sadd.s32 s3, s9;
	s6 =	sadd.s32 @!p0 $0x88, s6;
	s7 =	simm.s32 @p2 $0x1082  }
0x22: {  	[simem:s7], [sflag:s8] =	dma.local @!p0 [hbm:s6], $0xF7A  }
0x23: {  	s9 =	sor.u32 $0xD0000000, s2;
	s6 =	simm.s32 $0x108;
	_ =	swait.ge @!p0 [sflag:s8], $0x0  }
0x24: {  	s3 =	sadd.s32 $0x88, s3;
	s6 =	simm.s32 @!p1 $0x1082;
	[sflag:s4] =	ssyncset.s32 $0xFFFFF086  }
0x25: {  	[simem:s6], [sflag:s4] =	dma.local [hbm:s3], $0xF7A  }
0x26: {  	[smem:$0x3F9D] =	sst s1;
	(tag) =	ssettag s2;
	_ =	strace s9  }
0x27: {  	s1 =	sld [smem:$0x3FAD]  }
0x28: {  	s2 =	sld [smem:$0x3FAE]  }
0x29: {  	s4 =	sld [smem:$0x3FB0]  }
0x2a: {  	p0 =	seq.s32 s5, $0x0;
	s5 =	sld [smem:$0x3FB1]  }
0x2b: {  	s6 =	sld [smem:$0x3FB2]  }
0x2c: {  	s7 =	sld [smem:$0x3FB3]  }
0x2d: {  	s3 =	simm.s32 $0x108;
	s8 =	sld [smem:$0x3FB4]  }
0x2e: {  	s3 =	simm.s32 @!p0 $0x1082;
	s9 =	sld [smem:$0x3FB5]  }
0x2f: {  	lr =	sadd.s32 s0, s3;
	s0 =	sld [smem:$0x3FAC]  }
0x30: {  	s3 =	sld [smem:$0x3FAF]  }
0x31: {  	[smem:$0x3FB8] =	sst s10  }
0x32: {  	s10 =	sld [smem:$0x3FB6];
	_ =	sdelay $0x3  }
0x33: {  	p0 =	seq.s32 s10, $0x1;
	s10 =	sld [smem:$0x3FB8];
	_ =	sdelay $0x3  }
0x34: {  	[smem:$0x3FB8] =	sst s10  }
0x35: {  	s10 =	sld [smem:$0x3FB7];
	_ =	sdelay $0x3  }
0x36: {  	p1 =	seq.s32 s10, $0x1;
	s10 =	sld [smem:$0x3FB8];
	_ =	sdelay $0x3  }
0x37: {  	[smem:$0x3FB8] =	sst s10  }
0x38: {  	s10 =	sld [smem:$0x3FB9]  }
0x39: {  	_ = 	snop;
	(pc) =	sbr.ind lr, $3  }
0x3a: {  	_ = 	snop  }
0x3b: {  	_ = 	snop  }
0x3c: {  	p2 =	seq.s32 s10, $0x1;
	s10 =	sld [smem:$0x3FB8]  }
0x3d: {  	_ =	shalt  }
0x3e: {  	_ =	shalt  }
0x3f: {  	_ =	shalt  }
0x40: {  	_ =	shalt  }
0x41: {  	_ =	shalt  }
0x42: {  	_ =	shalt  }
0x43: {  	_ =	shalt  }
0x44: {  	_ =	shalt  }
0x45: {  	_ =	shalt  }
0x46: {  	_ =	shalt  }
0x47: {  	_ =	shalt  }
0x48: {  	_ =	shalt  }
0x49: {  	_ =	shalt  }
0x4a: {  	_ =	shalt  }
0x4b: {  	_ =	shalt  }
0x4c: {  	_ =	shalt  }
0x4d: {  	_ =	shalt  }
0x4e: {  	_ =	shalt  }
0x4f: {  	_ =	shalt  }
0x50: {  	_ =	shalt  }
0x51: {  	_ =	shalt  }
0x52: {  	_ =	shalt  }
0x53: {  	_ =	shalt  }
0x54: {  	_ =	shalt  }
0x55: {  	_ =	shalt  }
0x56: {  	_ =	shalt  }
0x57: {  	_ =	shalt  }
0x58: {  	_ =	shalt  }
0x59: {  	_ =	shalt  }
0x5a: {  	_ =	shalt  }
0x5b: {  	_ =	shalt  }
0x5c: {  	_ =	shalt  }
0x5d: {  	_ =	shalt  }
0x5e: {  	_ =	shalt  }
0x5f: {  	_ =	shalt  }
0x60: {  	_ =	shalt  }
0x61: {  	_ =	shalt  }
0x62: {  	_ =	shalt  }
0x63: {  	_ =	shalt  }
0x64: {  	_ =	shalt  }
0x65: {  	_ =	shalt  }
0x66: {  	_ =	shalt  }
0x67: {  	_ =	shalt  }
0x68: {  	_ =	shalt  }
0x69: {  	_ =	shalt  }
0x6a: {  	_ =	shalt  }
0x6b: {  	_ =	shalt  }
0x6c: {  	_ =	shalt  }
0x6d: {  	_ =	shalt  }
0x6e: {  	_ =	shalt  }
0x6f: {  	_ =	shalt  }
0x70: {  	_ =	shalt  }
0x71: {  	_ =	shalt  }
0x72: {  	_ =	shalt  }
0x73: {  	_ =	shalt  }
0x74: {  	_ =	shalt  }
0x75: {  	_ =	shalt  }
0x76: {  	_ =	shalt  }
0x77: {  	_ =	shalt  }
0x78: {  	_ =	shalt  }
0x79: {  	_ =	shalt  }
0x7a: {  	_ =	shalt  }
0x7b: {  	_ =	shalt  }
0x7c: {  	_ =	shalt  }
0x7d: {  	_ =	shalt  }
0x7e: {  	_ =	shalt  }
0x7f: {  	_ =	shalt  }
0x80: {  	_ =	shalt  }
0x81: {  	_ =	shalt  }
0x82: {  	_ =	shalt  }
0x83: {  	_ =	shalt  }
0x84: {  	_ =	shalt  }
0x85: {  	_ =	shalt  }
0x86: {  	_ =	shalt  }
0x87: {  	_ =	shalt  }
.Lfunc_end0:
.L_simem_size_0:
called_computation_lowered:
.L_overlay_start_0:
0x88: {  	s2 =	sld [smem:$0x3FD9]  }
0x89: {  	s3 =	sld [smem:$0x3FFE];
	_ =	sdelay $0x1  }
0x8a: {  	s1 =	srdreg.scid  }
0x8b: {  	s0 =	sand.u32 $0x1, s1  }
0x8c: {  	s17 =	sshll.u32 s0, $0xA;
	s2 =	sadd.s32 s3, s2  }
0x8d: {  	s2 =	sadd.s32 s2, s17  }
0x8e: {  	[smem:$0x3FC4] =	sst s2  }
0x8f: {  	_ = 	snop  }
0x90: {  	s2 =	sld [smem:$0x3FC6]  }
0x91: {  	s18 =	sld [smem:$0x3FD0];
	(tm) =	ssettm $0x1  }
0x92: {  	s4 =	sld [smem:$0x3FFB];
	_ =	sdelay $0x3  }
0x93: {  	_ =	strace s4  }
0x94: {  	s4 =	sld [smem:$0x3FFC];
	_ =	sdelay $0x3  }
0x95: {  	_ =	strace s4  }
0x96: {  	s4 =	sld [smem:$0x3FFD];
	_ =	sdelay $0x3  }
0x97: {  	_ =	strace s4  }
0x98: {  	_ =	strace $0x8FFFFFFF  }
0x99: {  	s19 =	sld [smem:$0x3FDB];
	_ =	sdelay $0x1  }
0x9a: {  	s5 =	simm.s32 $_scs_section_size  }
0x9b: {  	s6 =	simm.s32 $_size__tile_overlayer_lowered;
	s7 =	simm.s32 $_tile_overlayer_lowered  }
0x9c: {  	s22 =	simm.s32 $0x1BFF;
	s21 =	sshll.u32 s7, $0x1;
	s4 =	sadd.s32 s5, s19  }
0x9d: {  	s8 =	simm.s32 $0x0;
	s20 =	sshll.u32 s6, $0x1;
	s6 =	sadd.s32 s21, s4  }
0x9e: {  	[timem:s8], [sflag:s22] =	dma.local [hbm:s6], s20  }
0x9f: {  	_ =	swait.ge [sflag:s22], s20  }
0xa0: {  	s5 =	ssub.s32 $0x0, s20;
	[sflag:s22] =	ssyncset.done $0x0  }
0xa1: {  	[sflag:s22] =	ssyncadd.s32 s5;
	_ =	sdelay $0x1  }
0xa2: {  	s23 =	simm.s32 $0x1B8B  }
0xa3: {  	_ =	swait.ge [sflag:s23], $0x1  }
0xa4: {  	[sflag:s23] =	ssyncset.done $0x0  }
0xa5: {  	s25 =	simm.s32 $0x1B8E;
	s24 =	sld [smem:$0x3FFE];
	[sflag:s23] =	ssyncadd.s32 $0xFFFFFFFF  }
0xa6: {  	s26 =	simm.s32 $execute0_lowered;
	[smem:$0x3FD2] =	sst s25  }
0xa7: {  	s6 =	sshll.u32 s26, $0x1;
	_ =	strace $0x80000046;
	[dreg:$0x1] =	wrdreg $0xFFFFFFFF  }
0xa8: {  	s28 =	simm.s32 $_size_execute0_lowered;
	s4 =	sadd.s32 s4, s6;
	[dreg:$0x0] =	wrdreg $0x0  }
0xa9: {  	s6 =	sshll.u32 s28, $0x1;
	[dreg:$0x2] =	wrdreg s4  }
0xaa: {  	[dreg:$0x3] =	wrdreg s6  }
0xab: {  	[dreg:$0x4] =	wrdreg $0xC0  }
0xac: {  	_ =	task [dreg:s8], $0x5FFFF  }
0xad: {  	[dreg:$0x1] =	wrdreg $0xFFFFFFFF  }
0xae: {  	[dreg:$0x0] =	wrdreg $0x60  }
0xaf: {  	[dreg:$0x2] =	wrdreg s24  }
0xb0: {  	[dreg:$0x3] =	wrdreg s2  }
0xb1: {  	[dreg:$0x4] =	wrdreg s18  }
0xb2: {  	[dreg:$0x5] =	wrdreg $0x9  }
0xb3: {  	_ =	task.clear_ibuf [dreg:s8], $0x6FFFF;
	_ =	strace $0x90000046  }
0xb4: {  	s29 =	simm.s32 $0x9;
	_ =	strace $0x80000048  }
0xb5: {  	_ =	swait.ge [sflag:s29], $0x1  }
0xb6: {  	[sflag:s29] =	ssyncadd.s32 $0xFFFFFFFF  }
0xb7: {  	_ =	strace $0x90000048  }
0xb8: {  	_ =	sfence  }
0xb9: {  	s30 =	sld [smem:$0x0];
	_ =	sdelay $0x2  }
0xba: {  	s31 =	sshll.u32 s1, $0xD;
	s1 =	sshrl.u32 s1, $0x2  }
0xbb: {  	s3 =	sand.u32 $0x4000, s31;
	s1 =	sadd.s32 s1, s30  }
0xbc: {  	s0 =	sor.u32 s3, s0;
	s1 =	sshll.u32 s1, $0x11  }
0xbd: {  	s0 =	sor.u32 s1, s0  }
0xbe: {  	s0 =	sadd.s32 $0x8F2B, s0  }
0xbf: {  	[sflag:s0] =	ssyncadd.remote.s32 $0x1  }
0xc0: {  	_ =	sfence.sel $0xFFFF  }
0xc1: {  	[dreg:$0x0] =	wrdreg $0xFFFFFFFF;
	(pc) =	sbr.abs _section_cstart, $3  }
0xc2: {  	[dreg:$0x1] =	wrdreg $0xFFFFFFFF  }
0xc3: {  	_ =	task.clear_ibuf [dreg:s8], $0x2FFFF;
	_ =	strace $0x9FFFFFFF  }
0xc4: {  	(tm) =	ssettm $0x7FFFFFFF  }
0xc5: {  	_ =	shalt  }
tec
execute0_lowered:
.L_overlay_start_1:
0x0: {  	(tag) =	ssettag $0x1  }
0x1: {  	s5 =	rddreg [dreg:$0x0]  }
0x2: {  	s2 =	rddreg [dreg:$0x1]  }
0x3: {  	s3 =	rddreg [dreg:$0x2]  }
0x4: {  	s0 =	rddreg [dreg:$0x3];
	s1 =	stileid.u32;
	s4 =	simm.s32 $0x0  }
0x5: {  	s7 =	srdreg.scid;
	s12 =	simm.s32 $0x2;
	s13 =	simm.s32 $0x6000  }
0x6: {  	s14 =	simm.s32 $0x6300;
	s15 =	simm.s32 $0x1;
	s16 =	simm.s32 $0x6A00  }
0x7: {  	s18 =	simm.s32 $0x0;
	s6 =	smul.u32 $0xC00, s1;
	[smem:$0x7FF] =	sst s4  }
0x8: {  	s8 =	smul.u32 $0x60, s1;
	s11 =	sand.u32 $0x1, s7;
	s31 =	sshll.u32 s1, $0x4  }
0x9: {  	_ =	strace $0x80000047;
	s7 =	ssub.s32 $0x2, s11;
	s17 =	sor.u32 s1, s11  }
.Ltmp0:
0xa: {  	p0 =	sne.s32 s11, $0x0;
	s11 =	simm.s32 $0x6980;
	(pc) =	sbr.rel .LBB2_1-.Ltmp0, $4  }
0xb: {  	s6 =	sadd.s32 s6, s5;
	s8 =	sadd.s32 s8, s5;
	s5 =	sadd.s32 $0xD800, s5  }
0xc: {  	s9 =	sshrl.u32 s7, $0x1;
	p1 =	sne.s32 s17, $0x0;
	s17 =	simm.s32 $0x6A80  }
0xd: {  	s10 =	ssub.s32 s7, s9;
	s6 =	sadd.s32 $0xC00, s6;
	s7 =	sadd.s32 $0xD200, s8  }
0xe: {  	v0 =	vimm.s32 $0xFFFFFF81;
	s8 =	sadd.s32 $0xCC00, s8;
	s9 =	sadd.s32 s5, s31;
	s10 =	smax.u32 s10, $0x1  }
.LBB2_6:
0xf: {  	v43 =	vld [tilespmem:s19+$0xFFFFFEB0]  }
0x10: {  	v44 =	vld [tilespmem:s19+$0xFFFFFE90]  }
0x11: {  	v45 =	vld [tilespmem:s19+$0xFFFFFF50]  }
0x12: {  	v46 =	vld [tilespmem:s19+$0x10]  }
0x13: {  	v47 =	vld [tilespmem:s19+$0xFFFFFF70]  }
0x14: {  	v48 =	vld [tilespmem:s19+$0xD0]  }
0x15: {  	v49 =	vld [tilespmem:s19+$0xFFFFFF90]  }
0x16: {  	v50 =	vld [tilespmem:s19+$0xF0];
	v51 =	vbroadcast v34, $0x1  }
0x17: {  	v52 =	vld [tilespmem:s19+$0xFFFFFFB0];
	v53 =	vbroadcast v34, $0x0;
	v54 =	vbroadcast v34, $0x6  }
0x18: {  	v55 =	vld [tilespmem:s19+$0x110];
	v56 =	vbroadcast v34, $0x7;
	v34 =	vbroadcast v34, $0xC  }
0x19: {  	v57 =	vld [tilespmem:s19+$0xFFFFFFD0];
	v41 =	vmul.f32 v41, v30;
	v42 =	vmul.f32 v42, v28  }
0x1a: {  	v58 =	vld [tilespmem:s19+$0x130];
	v39 =	vmul.f32 v39, v26;
	v40 =	vmul.f32 v40, v25  }
0x1b: {  	v59 =	vld [tilespmem:s19+$0xFFFFFFF0];
	v38 =	vmul.f32 v38, v20;
	v44 =	vmul.f32 v44, v53  }
0x1c: {  	v60 =	vld [tilespmem:s19+$0x150];
	v45 =	vmul.f32 v45, v54;
	v43 =	vmul.f32 v43, v51  }
0x1d: {  	v46 =	vmul.f32 v46, v34;
	v63 =	vmul.f32 v48, v29;
	v48 =	vld [tilespmem:s19+$0xFFFFFEA0]  }
0x1e: {  	v61 =	vld [tilespmem:s19+$0xB0];
	v47 =	vmul.f32 v47, v56;
	v44 =	vadd.f32 $0.0e+00, v44;
	v45 =	vadd.f32 $0.0e+00, v45  }
0x1f: {  	v37 =	vmul.f32 v37, v21;
	v62 =	vmul.f32 v49, v27;
	v49 =	vld [tilespmem:s19+$0xFFFFFF80];
	v46 =	vadd.f32 $0.0e+00, v46  }
0x20: {  	v36 =	vmul.f32 v36, v14;
	v43 =	vadd.f32 v43, v44;
	v44 =	vadd.f32 v47, v45;
	v45 =	vld [tilespmem:s19+$0x170]  }
0x21: {  	v35 =	vmul.f32 v35, v16;
	v52 =	vmul.f32 v52, v24;
	v41 =	vadd.f32 v41, v46;
	v46 =	vld [tilespmem:s19+$0xFFFFFE80]  }
0x22: {  	v55 =	vmul.f32 v55, v19;
	v48 =	vmul.f32 v48, v51;
	v51 =	vld [tilespmem:s19+$0xE0]  }
0x23: {  	v47 =	vadd.f32 $0.0e+00, v63;
	v63 =	vmul.f32 v50, v23;
	v42 =	vadd.f32 v42, v43;
	v43 =	vld [tilespmem:s19+$0xFFFFFF40]  }
0x24: {  	v57 =	vmul.f32 v57, v22;
	v44 =	vadd.f32 v62, v44;
	v40 =	vadd.f32 v40, v41;
	v41 =	vld [tilespmem:s19+$0xFFFFFF60]  }
0x25: {  	v58 =	vmul.f32 v58, v15;
	v47 =	vadd.f32 v63, v47;
	v63 =	vmul.f32 v61, v10;
	v61 =	vld [tilespmem:s19+$0x100]  }
0x26: {  	v59 =	vmul.f32 v59, v17;
	v39 =	vadd.f32 v39, v42;
	v42 =	vld [tilespmem:s19+$0x0];
	v44 =	vadd.f32 v52, v44  }
0x27: {  	v62 =	vmul.f32 v60, v11;
	v38 =	vadd.f32 v38, v40;
	v40 =	vld [tilespmem:s19+$0xFFFFFEC0];
	v47 =	vadd.f32 v55, v47  }
0x28: {  	v52 =	vld [tilespmem:s19+$0x40];
	v46 =	vmul.f32 v46, v53;
	v37 =	vadd.f32 v37, v39;
	v44 =	vadd.f32 v57, v44  }
0x29: {  	v53 =	vld [tilespmem:s19+$0xFFFFFFA0];
	v45 =	vmul.f32 v45, v8;
	v36 =	vadd.f32 v36, v38;
	v47 =	vadd.f32 v58, v47  }
0x2a: {  	v39 =	vld [tilespmem:s19+$0x20];
	v43 =	vmul.f32 v43, v54;
	v46 =	vadd.f32 $0.0e+00, v46;
	v35 =	vadd.f32 v35, v37  }
0x2b: {  	v38 =	vld [tilespmem:s19+$0xC0];
	v41 =	vmul.f32 v41, v56;
	v44 =	vadd.f32 v59, v44;
	v47 =	vadd.f32 v62, v47  }
0x2c: {  	v58 =	vld [tilespmem:s19+$0x60];
	v36 =	vadd.f32 v63, v36;
	v59 =	vmul.f32 v49, v27;
	v43 =	vadd.f32 $0.0e+00, v43  }
0x2d: {  	v54 =	vld [tilespmem:s19+$0xFFFFFF00];
	v34 =	vmul.f32 v42, v34;
	v55 =	vadd.f32 v48, v46;
	v56 =	vmul.f32 v40, v28  }
0x2e: {  	v37 =	vld [tilespmem:s19+$0xFFFFFEE0];
	v46 =	vmul.f32 v52, v25;
	v35 =	vmax.f32 v35, $1.000000010e-10;
	v44 =	vmax.f32 v44, $1.000000010e-10  }
0x2f: {  	v63 =	vld [tilespmem:s19+$0xFFFFFF20];
	v48 =	vmul.f32 v51, v23;
	v35 =	vmul.f32 v44, v35;
	v57 =	vadd.f32 v41, v43  }
0x30: {  	v42 =	vld [tilespmem:s19+$0xFFFFFFC0];
	v34 =	vadd.f32 $0.0e+00, v34;
	v60 =	vmul.f32 v39, v30;
	v43 =	vadd.f32 v45, v47  }
0x31: {  	v50 =	vld [tilespmem:s19+$0x120];
	v28 =	vadd.f32 v56, v55;
	v62 =	vmul.f32 v38, v29;
	v45 =	vmul.f32 v53, v24  }
0x32: {  	v44 =	vld [tilespmem:s19+$0xFFFFFFE0];
	v53 =	vmul.f32 v58, v20;
	v55 =	vmul.f32 v61, v19;
	v61 =	vmax.f32 v36, $1.000000010e-10  }
0x33: {  	v47 =	vld [tilespmem:s19+$0x80];
	v49 =	vmul.f32 v54, v21;
	v27 =	vadd.f32 v59, v57;
	v40 =	vmul.f32 v37, v26  }
0x34: {  	v52 =	vld [tilespmem:s19+$0xA0];
	v30 =	vadd.f32 v60, v34;
	v29 =	vadd.f32 $0.0e+00, v62;
	v56 =	vmul.f32 v63, v16  }
0x35: {  	v54 =	vld [tilespmem:s19+$0x140];
	v51 =	vmul.f32 v42, v22;
	v26 =	vadd.f32 v40, v28;
	v24 =	vadd.f32 v45, v27  }
0x36: {  	v58 =	vld [tilespmem:s19+$0x160];
	v60 =	vmul.f32 v50, v15;
	v25 =	vadd.f32 v46, v30;
	v23 =	vadd.f32 v48, v29  }
0x37: {  	v57 =	vmul.f32 v44, v17;
	v21 =	vadd.f32 v49, v26;
	v22 =	vadd.f32 v51, v24  }
0x38: {  	v59 =	vmul.f32 v47, v14;
	v20 =	vadd.f32 v53, v25;
	v19 =	vadd.f32 v55, v23  }
0x39: {  	v62 =	vmul.f32 v52, v10;
	v16 =	vadd.f32 v56, v21;
	v17 =	vadd.f32 v57, v22  }
0x3a: {  	v63 =	vmul.f32 v54, v11;
	v14 =	vadd.f32 v59, v20;
	v15 =	vadd.f32 v60, v19  }
0x3b: {  	v21 =	vmul.f32 v61, v35;
	v22 =	vmul.f32 v58, v8;
	v16 =	vmax.f32 v16, $1.000000010e-10  }
0x3c: {  	v17 =	vmax.f32 v17, $1.000000010e-10;
	v10 =	vadd.f32 v62, v14;
	v11 =	vadd.f32 v63, v15  }
0x3d: {  	v23 =	vmax.f32 v43, $1.000000010e-10;
	v24 =	vmul.f32 v17, v16  }
0x3e: {  	v14 =	vmul.f32 v23, v21;
	v10 =	vmax.f32 v10, $1.000000010e-10;
	v8 =	vadd.f32 v22, v11  }
0x3f: {  	v10 =	vmul.f32 v10, v24  }
0x40: {  	v25 =	vand.u32 $0x7FFFFF, v14;
	v8 =	vmax.f32 v8, $1.000000010e-10  }
0x41: {  	v11 =	vor.u32 $0x3F800000, v25;
	v8 =	vmul.f32 v8, v10  }
0x42: {  	v26 =	vmul.f32 $5.000000000e-01, v11  }
0x43: {  	v27 =	vmul.f32 $5.000000000e-01, v18;
	vm1 =	vgt.f32 v11, $1.414213540e+00;
	v28 =	vand.u32 $0x7FFFFF, v8  }
0x44: {  	v10 =	vsel vm1, v26, v11;
	v29 =	vor.u32 $0x3F800000, v28  }
0x45: {  	v15 =	vsel vm0, v27, v18;
	v30 =	vadd.f32 $1.000000000e+00, v10;
	v34 =	vmul.f32 $5.000000000e-01, v29  }
0x46: {  	v18 =	vadd.f32 $1.000000000e+00, v15;
	vm15 =	vgt.f32 v29, $1.414213540e+00  }
0x47: {  	(erf) = vrcp.f32 v30;
	v11 =	vsel vm15, v34, v29  }
0x48: {  	(erf) = vrcp.f32 v18;
	v35 =	vadd.f32 $1.000000000e+00, v11;
	_ =	sdelay $0x1  }
0x49: {  	(erf) = vrcp.f32 v35;
	_ =	sdelay $0x5  }
0x4a: {  	v15 =	vadd.f32 $-1.000000000e+00, v15;
	v36 =	vpop (erf)  }
0x4b: {  	v9 =	vmul.f32 v9, v6;
	v37 =	vpop (erf)  }
0x4c: {  	v11 =	vadd.f32 $-1.000000000e+00, v11;
	v15 =	vmul.f32 v37, v15  }
0x4d: {  	v9 =	vadd.f32 $2.000000030e-01, v9;
	v10 =	vadd.f32 $-1.000000000e+00, v10;
	v38 =	vpop (erf)  }
0x4e: {  	v17 =	vmul.f32 v15, v15;
	v11 =	vmul.f32 v38, v11  }
0x4f: {  	v9 =	vmul.f32 v9, v6;
	v10 =	vmul.f32 v36, v10  }
0x50: {  	v40 =	vmul.f32 $1.111111120e-01, v17;
	v41 =	vmul.f32 v11, v11  }
0x51: {  	v7 =	vmul.f32 v13, v7;
	v9 =	vadd.f32 $3.333333430e-01, v9;
	v39 =	vmul.f32 v10, v10  }
0x52: {  	v12 =	vcvt.s32.f32 v12;
	v18 =	vadd.f32 $1.428571490e-01, v40;
	v44 =	vmul.f32 $1.111111120e-01, v41  }
0x53: {  	v51 =	vmul.f32 v9, v6;
	v42 =	vmul.f32 $1.111111120e-01, v39  }
0x54: {  	v1 =	vadd.f32 v7, v1;
	v46 =	vmul.f32 v18, v17;
	v47 =	vadd.f32 $1.428571490e-01, v44  }
0x55: {  	v6 =	vadd.f32 $1.000000000e+00, v51;
	v20 =	vadd.f32 $1.428571490e-01, v42  }
0x56: {  	v12 =	vmul.f32 $6.931471820e-01, v12;
	v48 =	vadd.f32 $2.000000030e-01, v46;
	v49 =	vmul.f32 v47, v41  }
0x57: {  	v1 =	vadd.f32 v1, v2;
	v5 =	vmul.f32 v6, v5;
	v20 =	vmul.f32 v20, v39  }
0x58: {  	v45 =	vmul.f32 v31, v32;
	v7 =	vmul.f32 v48, v17;
	v52 =	vadd.f32 $2.000000030e-01, v49  }
0x59: {  	v43 =	vmul.f32 $6.931471820e-01, v33;
	v4 =	vadd.f32 v5, v4;
	v50 =	vadd.f32 $2.000000030e-01, v20  }
0x5a: {  	v54 =	vshra.s32 v14, $0x17;
	v7 =	vadd.f32 $3.333333430e-01, v7;
	v9 =	vmul.f32 v52, v41  }
0x5b: {  	v1 =	vadd.f32 v4, v1;
	v8 =	vshra.s32 v8, $0x17;
	v53 =	vmul.f32 v50, v39  }
0x5c: {  	v2 =	vsel vm15, $0xFFFFFF82, v0;
	v7 =	vmul.f32 v7, v17;
	v9 =	vadd.f32 $3.333333430e-01, v9  }
0x5d: {  	v55 =	vsel vm1, $0xFFFFFF82, v0;
	v2 =	vadd.s32 v8, v2;
	v13 =	vadd.f32 $3.333333430e-01, v53  }
0x5e: {  	v15 =	vadd.f32 v15, v15;
	v7 =	vadd.f32 $1.000000000e+00, v7;
	v57 =	vmul.f32 v9, v41  }
0x5f: {  	v56 =	vadd.s32 v54, v55;
	v2 =	vcvt.s32.f32 v2;
	v13 =	vmul.f32 v13, v39  }
0x60: {  	v59 =	vadd.f32 v11, v11;
	v7 =	vmul.f32 v7, v15;
	v8 =	vadd.f32 $1.000000000e+00, v57  }
0x61: {  	v6 =	vcvt.s32.f32 v56;
	v10 =	vadd.f32 v10, v10;
	v58 =	vadd.f32 $1.000000000e+00, v13  }
0x62: {  	v2 =	vmul.f32 $6.931471820e-01, v2;
	v60 =	vadd.f32 v7, v12;
	v5 =	vmul.f32 v8, v59  }
0x63: {  	v61 =	vadd.f32 v45, v43;
	v6 =	vmul.f32 $6.931471820e-01, v6;
	v62 =	vmul.f32 v58, v10  }
0x64: {  	v1 =	vadd.f32 v60, v1;
	v2 =	vadd.f32 v5, v2  }
0x65: {  	v3 =	vadd.f32 v61, v3;
	v63 =	vadd.f32 v62, v6  }
0x66: {  	v1 =	vadd.f32 v2, v1  }
0x67: {  	v2 =	vadd.f32 v63, v3  }
0x68: {  	[tilespmem:$0x6A00] =	vst v1  }
0x69: {  	[tilespmem:$0x6A10] =	vst v2  }
0x6a: {  	[hbm4b:s9+s4] =	stream.linear.scatter [tilespmem:s16], [sflag:$0x2], $0x80, $0x38;
	[tilespmem:$0x7280] =	vst v63  }
0x6b: {  	_ =	swait.ge [sflag:s12], $0x80  }
0x6c: {  	[sflag:s12] =	ssyncset.done $0x0  }
0x6d: {  	[sflag:s12] =	ssyncadd.s32 $0xFFFFFF80  }
.LBB2_7:
.Ltmp1:
0x6e: {  	(pc) =	sbr.rel @!p1 .LBB2_8-.Ltmp1, $2  }
0x6f: {  	_ =	sdelay $0x1  }
0x70: {  	[bflag:$0x0] =	sbarrier.arrive $0xFFFF;
	_ =	sdelay $0x1  }
.LBB2_9:
0x71: {  	s18 =	sadd.s32 $0x1, s18  }
0x72: {  	p2 =	sne.s32 s18, s10  }
.Ltmp2:
0x73: {  	_ = 	snop;
	(pc) =	sbr.rel @!p2 .LBB2_10-.Ltmp2, $1  }
0x74: {  	_ =	sdelay $0x3  }
.LBB2_1:
.Ltmp3:
0x75: {  	(pc) =	sbr.rel @p0 .LBB2_7-.Ltmp3, $1  }
0x76: {  	_ =	sdelay $0x3  }
0x77: {  	s19 =	simm.s32 $0x0  }
0x78: {  	[tilespmem:s19], [sflag:$0x1] =	stream.linear.gather [hbm4b:s6+s19], $0x6000, $0x38;
	[tilespmem:$0x7280] =	vst v63  }
0x79: {  	_ = 	snop  }
0x7a: {  	[tilespmem:s11], [sflag:$0x2] =	stream.linear.gather [hbm4b:s2+s19], $0x80, $0x38;
	[tilespmem:$0x7280] =	vst v63  }
0x7b: {  	_ =	swait.ge [sflag:s12], $0x80  }
0x7c: {  	[sflag:s12] =	ssyncset.done $0x0  }
0x7d: {  	[sflag:s12] =	ssyncadd.s32 $0xFFFFFF80  }
0x7e: {  	[tilespmem:s13], [sflag:$0x2] =	stream.linear.gather [hbm4b:s7+s19], $0x300, $0x38;
	[tilespmem:$0x7280] =	vst v63  }
0x7f: {  	_ =	swait.ge [sflag:s12], $0x300  }
0x80: {  	[sflag:s12] =	ssyncset.done $0x0  }
0x81: {  	[sflag:s12] =	ssyncadd.s32 $0xFFFFFD00  }
0x82: {  	[tilespmem:s14], [sflag:$0x2] =	stream.linear.gather [hbm4b:s8+s19], $0x300, $0x38;
	[tilespmem:$0x7280] =	vst v63  }
0x83: {  	_ =	swait.ge [sflag:s12], $0x300  }
0x84: {  	[sflag:s12] =	ssyncset.done $0x0  }
0x85: {  	s19 =	simm.s32 $0x0;
	[sflag:s12] =	ssyncadd.s32 $0xFFFFFD00  }
0x86: {  	v2 =	vld [tilespmem:s19+$0x6000];
	_ =	sdelay $0x6  }
0x87: {  	v1 =	vld [tilespmem:s19+$0x6300]  }
0x88: {  	s20 =	simm.s32 $0x10;
	s21 =	simm.s32 $0x80;
	v2 =	vld.idx.msk [tilespmem:v2+s11+$0x0], $0xffff  }
.LBB2_3:
0x89: {  	p2 =	sne.s32 s21, $0xBC0;
	v3 =	vld [tilespmem:s20+$0x6000];
	_ =	sdelay $0x3  }
.Ltmp4:
0x8a: {  	(pc) =	sbr.rel @p2 .LBB2_3-.Ltmp4, $3  }
0x8b: {  	v2 =	vmul.f32 v1, v2;
	_ =	sdelay $0x1  }
0x8c: {  	v1 =	vld [tilespmem:s20+$0x6300];
	[tilespmem:s19+$0x6600] =	vst v2;
	s19 =	smov.u32 s20  }
0x8d: {  	s20 =	sshra.s32 s21, $0x2;
	s21 =	sadd.s32 $0x40, s21;
	v2 =	vld.idx.msk [tilespmem:v3+s11+$0x0], $0xffff  }
0x8e: {  	v3 =	vld [tilespmem:s20+$0x6000];
	_ =	sdelay $0x4  }
0x8f: {  	v1 =	vmul.f32 v1, v2;
	_ =	sdelay $0x1  }
0x90: {  	v2 =	vld [tilespmem:s20+$0x6300];
	[tilespmem:s19+$0x6600] =	vst v1  }
0x91: {  	v1 =	vld.idx.msk [tilespmem:v3+s11+$0x0], $0xffff;
	_ =	sdelay $0x4  }
0x92: {  	v1 =	vmul.f32 v2, v1;
	_ =	sdelay $0x1  }
0x93: {  	[tilespmem:s20+$0x6600] =	vst v1  }
0x94: {  	_ =	swait.ge [sflag:s15], $0x6000  }
0x95: {  	[sflag:s15] =	ssyncset.done $0x0  }
0x96: {  	s24 =	simm.s32 $0x10;
	[sflag:s15] =	ssyncadd.s32 $0xFFFFA000  }
0x97: {  	v13 =	vld [tilespmem:s24+$0x6600]  }
0x98: {  	v16 =	vld [tilespmem:s24+$0x65F0];
	_ =	sdelay $0x2  }
0x99: {  	s25 =	simm.s32 $0x180  }
0x9a: {  	v17 =	vld [tilespmem:s25+$0xFFFFFF30];
	v2 =	vbroadcast v13, $0x7  }
0x9b: {  	v18 =	vld [tilespmem:s25+$0x90];
	v1 =	vbroadcast v13, $0x1;
	v4 =	vbroadcast v16, $0x5  }
0x9c: {  	v19 =	vld [tilespmem:s25+$0xFFFFFF10];
	v3 =	vbroadcast v13, $0x6;
	v6 =	vbroadcast v16, $0xB  }
0x9d: {  	v20 =	vld [tilespmem:s25+$0x70];
	v5 =	vbroadcast v13, $0x0;
	v10 =	vbroadcast v16, $0x4  }
0x9e: {  	v21 =	vld [tilespmem:s25+$0xFFFFFEF0];
	v7 =	vbroadcast v13, $0x5;
	v9 =	vbroadcast v16, $0xA  }
0x9f: {  	v23 =	vld [tilespmem:s25+$0x50];
	v11 =	vbroadcast v16, $0xF;
	v8 =	vbroadcast v13, $0x4  }
0xa0: {  	v24 =	vld [tilespmem:s25+$0xFFFFFED0];
	v22 =	vbroadcast v16, $0x3;
	v15 =	vbroadcast v16, $0x9  }
0xa1: {  	v27 =	vld [tilespmem:s25+$0x30];
	v14 =	vbroadcast v16, $0xE;
	v12 =	vbroadcast v13, $0x3  }
0xa2: {  	v30 =	vld [tilespmem:s25+$0xFFFFFE90];
	v25 =	vbroadcast v16, $0x2;
	v26 =	vbroadcast v16, $0x8  }
0xa3: {  	v34 =	vld [tilespmem:s25+$0xFFFFFF50];
	v28 =	vbroadcast v16, $0xD;
	v29 =	vbroadcast v13, $0x2  }
0xa4: {  	v36 =	vld [tilespmem:s25+$0x10];
	v31 =	vbroadcast v16, $0x1;
	v32 =	vbroadcast v16, $0x7  }
0xa5: {  	v37 =	vld [tilespmem:s25+$0xFFFFFF70];
	v33 =	vbroadcast v16, $0x0;
	v35 =	vbroadcast v16, $0xC  }
0xa6: {  	v38 =	vld [tilespmem:s25+$0xD0];
	v16 =	vbroadcast v16, $0x6;
	v17 =	vmul.f32 v17, v4  }
0xa7: {  	v13 =	vld [tilespmem:s25+$0xFFFFFEB0];
	v19 =	vmul.f32 v19, v10;
	v18 =	vmul.f32 v18, v5  }
0xa8: {  	v39 =	vld [tilespmem:s25+$0xFFFFFF90];
	v21 =	vmul.f32 v21, v22;
	v20 =	vmul.f32 v20, v11  }
0xa9: {  	v40 =	vld [tilespmem:s25+$0xF0];
	v24 =	vmul.f32 v24, v25;
	v23 =	vmul.f32 v23, v14  }
0xaa: {  	v41 =	vld [tilespmem:s25+$0xFFFFFFB0];
	v30 =	vmul.f32 v30, v33;
	v34 =	vmul.f32 v34, v16  }
0xab: {  	v42 =	vld [tilespmem:s25+$0x110];
	v36 =	vmul.f32 v36, v35;
	v37 =	vmul.f32 v37, v32  }
0xac: {  	v43 =	vld [tilespmem:s25+$0xFFFFFFD0];
	v30 =	vadd.f32 $0.0e+00, v30;
	v34 =	vadd.f32 $0.0e+00, v34;
	v13 =	vmul.f32 v13, v31  }
0xad: {  	v50 =	vld [tilespmem:s25+$0x130];
	v27 =	vmul.f32 v27, v28;
	v38 =	vmul.f32 v38, v29;
	v36 =	vadd.f32 $0.0e+00, v36  }
0xae: {  	v51 =	vld [tilespmem:s25+$0xFFFFFFF0];
	v49 =	vmul.f32 v39, v26;
	v13 =	vadd.f32 v13, v30;
	v30 =	vadd.f32 v37, v34  }
0xaf: {  	v54 =	vld [tilespmem:s25+$0x150];
	v53 =	vmul.f32 v40, v12;
	v52 =	vadd.f32 $0.0e+00, v38;
	v27 =	vadd.f32 v27, v36  }
0xb0: {  	v57 =	vld [tilespmem:s25+$0xFFFFFF40];
	v13 =	vadd.f32 v24, v13;
	v24 =	vadd.f32 v49, v30;
	v30 =	vmul.f32 v41, v15  }
0xb1: {  	v55 =	vmul.f32 v42, v8;
	v36 =	vadd.f32 v53, v52;
	v23 =	vadd.f32 v23, v27;
	v27 =	vld [tilespmem:s25+$0xB0]  }
0xb2: {  	v13 =	vadd.f32 v21, v13;
	v21 =	vadd.f32 v30, v24;
	v24 =	vmul.f32 v43, v9;
	v30 =	vld [tilespmem:s25+$0x170]  }
0xb3: {  	v58 =	vld [tilespmem:s25+$0xFFFFFFA0];
	v56 =	vmul.f32 v50, v7;
	v20 =	vadd.f32 v20, v23;
	v23 =	vadd.f32 v55, v36  }
0xb4: {  	v60 =	vld [tilespmem:s25+$0xE0];
	v13 =	vadd.f32 v19, v13;
	v19 =	vadd.f32 v24, v21;
	v21 =	vmul.f32 v51, v6  }
0xb5: {  	v18 =	vadd.f32 v18, v20;
	v20 =	vadd.f32 v56, v23;
	v23 =	vmul.f32 v54, v3;
	v24 =	vld [tilespmem:s25+$0xFFFFFE80]  }
0xb6: {  	v13 =	vadd.f32 v17, v13;
	v17 =	vadd.f32 v21, v19;
	v19 =	vmul.f32 v27, v1;
	v21 =	vld [tilespmem:s25+$0xFFFFFEA0]  }
0xb7: {  	v20 =	vadd.f32 v23, v20;
	v27 =	vld [tilespmem:s25+$0xFFFFFF60];
	v23 =	vmul.f32 v30, v2  }
0xb8: {  	v30 =	vld [tilespmem:s25+$0xC0];
	v13 =	vmax.f32 v13, $1.000000010e-10;
	v17 =	vmax.f32 v17, $1.000000010e-10;
	v18 =	vadd.f32 v19, v18  }
0xb9: {  	v19 =	vld [tilespmem:s25+$0x0];
	v13 =	vmul.f32 v17, v13  }
0xba: {  	v17 =	vld [tilespmem:s25+$0xFFFFFEC0];
	v20 =	vadd.f32 v23, v20;
	v18 =	vmax.f32 v18, $1.000000010e-10  }
0xbb: {  	v16 =	vmul.f32 v57, v16;
	v23 =	vld [tilespmem:s25+$0xFFFFFF80];
	v13 =	vmul.f32 v18, v13  }
0xbc: {  	v18 =	vld [tilespmem:s25+$0x20];
	v20 =	vmax.f32 v20, $1.000000010e-10;
	v21 =	vmul.f32 v21, v31;
	v27 =	vmul.f32 v27, v32  }
0xbd: {  	v16 =	vadd.f32 $0.0e+00, v16;
	v31 =	vld [tilespmem:s25+$0x40];
	v13 =	vmul.f32 v20, v13;
	v20 =	vmul.f32 v24, v33  }
0xbe: {  	v12 =	vmul.f32 v60, v12;
	v24 =	vld [tilespmem:s25+$0xFFFFFEE0];
	v19 =	vmul.f32 v19, v35  }
0xbf: {  	v16 =	vadd.f32 v27, v16;
	v17 =	vmul.f32 v17, v25;
	v25 =	vld [tilespmem:s25+$0xFFFFFFC0];
	v20 =	vadd.f32 $0.0e+00, v20  }
0xc0: {  	v23 =	vmul.f32 v23, v26;
	v26 =	vld [tilespmem:s25+$0x60];
	v59 =	vand.u32 $0x7FFFFF, v13;
	v19 =	vadd.f32 $0.0e+00, v19  }
0xc1: {  	v18 =	vmul.f32 v18, v28;
	v28 =	vmul.f32 v30, v29;
	v29 =	vld [tilespmem:s25+$0x100];
	v20 =	vadd.f32 v21, v20  }
0xc2: {  	v15 =	vmul.f32 v58, v15;
	v34 =	vor.u32 $0x3F800000, v59;
	v16 =	vadd.f32 v23, v16;
	v21 =	vld [tilespmem:s25+$0xFFFFFF00]  }
0xc3: {  	v18 =	vadd.f32 v18, v19;
	v19 =	vld [tilespmem:s25+$0xFFFFFFE0];
	v17 =	vadd.f32 v17, v20;
	v20 =	vmul.f32 v24, v22  }
0xc4: {  	v14 =	vmul.f32 v31, v14;
	v61 =	vmul.f32 $5.000000000e-01, v34;
	v23 =	vadd.f32 $0.0e+00, v28;
	v22 =	vld [tilespmem:s25+$0xFFFFFF20]  }
0xc5: {  	vm0 =	vgt.f32 v34, $1.414213540e+00;
	v15 =	vadd.f32 v15, v16;
	v17 =	vadd.f32 v20, v17;
	v20 =	vld [tilespmem:s25+$0x80]  }
0xc6: {  	v16 =	vld [tilespmem:s25+$0x120];
	v62 =	vsel vm0, v61, v34;
	v12 =	vadd.f32 v12, v23;
	v8 =	vmul.f32 v29, v8  }
0xc7: {  	v9 =	vmul.f32 v25, v9;
	v14 =	vadd.f32 v14, v18;
	v18 =	vld [tilespmem:s25+$0xA0];
	v10 =	vmul.f32 v21, v10  }
0xc8: {  	v27 =	vadd.f32 $1.000000000e+00, v62;
	v8 =	vadd.f32 v8, v12;
	v12 =	vld [tilespmem:s25+$0x160]  }
0xc9: {  	s26 =	simm.s32 $0x28;
	v9 =	vadd.f32 v9, v15;
	v6 =	vmul.f32 v19, v6;
	v10 =	vadd.f32 v10, v17;
	v17 =	vld [tilespmem:s25+$0x140]  }
0xca: {  	v4 =	vmul.f32 v22, v4;
	v5 =	vmul.f32 v20, v5;
	v20 =	vld [tilespmem:s26+$0x65F0]  }
0xcb: {  	(erf) = vrcp.f32 v27;
	v6 =	vadd.f32 v6, v9  }
0xcc: {  	v11 =	vmul.f32 v26, v11;
	v4 =	vadd.f32 v4, v10  }
0xcd: {  	v7 =	vmul.f32 v16, v7;
	v9 =	vmul.f32 v18, v1;
	v6 =	vmax.f32 v6, $1.000000010e-10  }
0xce: {  	v4 =	vmax.f32 v4, $1.000000010e-10;
	v2 =	vmul.f32 v12, v2;
	v3 =	vmul.f32 v17, v3  }
0xcf: {  	v11 =	vadd.f32 v11, v14;
	v4 =	vmul.f32 v6, v4;
	v6 =	vbroadcast v20, $0x5  }
0xd0: {  	s28 =	simm.s32 $0x480;
	v7 =	vadd.f32 v7, v8;
	v8 =	vbroadcast v20, $0xB;
	v12 =	vbroadcast v20, $0x4  }
0xd1: {  	v55 =	vld [tilespmem:s28+$0x10];
	v5 =	vadd.f32 v5, v11;
	v11 =	vbroadcast v20, $0xA;
	v18 =	vbroadcast v20, $0x3  }
0xd2: {  	v28 =	vld [tilespmem:s28+$0x50];
	v15 =	vbroadcast v20, $0x9;
	v16 =	vbroadcast v20, $0xE  }
0xd3: {  	v24 =	vld [tilespmem:s28+$0xFFFFFF10];
	v10 =	vadd.f32 $-1.000000000e+00, v62;
	v30 =	vbroadcast v20, $0x2;
	v31 =	vbroadcast v20, $0x8  }
0xd4: {  	v22 =	vld [tilespmem:s28+$0xFFFFFF30];
	v1 =	vpop (erf);
	v33 =	vbroadcast v20, $0xD;
	v37 =	vbroadcast v20, $0x1  }
0xd5: {  	v27 =	vld [tilespmem:s28+$0xFFFFFEF0];
	v5 =	vadd.f32 v9, v5;
	v38 =	vbroadcast v20, $0x7;
	v1 =	vmul.f32 v1, v10  }
0xd6: {  	v29 =	vld [tilespmem:s28+$0xFFFFFED0];
	v3 =	vadd.f32 v3, v7;
	v40 =	vbroadcast v20, $0x0;
	v42 =	vbroadcast v20, $0xC  }
0xd7: {  	v17 =	vld [tilespmem:s26+$0x6600];
	v5 =	vmax.f32 v5, $1.000000010e-10;
	v10 =	vbroadcast v20, $0xF;
	v19 =	vmul.f32 v1, v1  }
0xd8: {  	v20 =	vbroadcast v20, $0x6;
	v4 =	vmul.f32 v5, v4  }
0xd9: {  	v63 =	vld [tilespmem:s28+$0x30];
	v2 =	vadd.f32 v2, v3;
	v22 =	vmul.f32 v22, v6;
	v3 =	vmul.f32 $1.111111120e-01, v19  }
0xda: {  	v44 =	vld [tilespmem:s28+$0xFFFFFF70];
	v24 =	vmul.f32 v24, v12;
	v27 =	vmul.f32 v27, v18  }
0xdb: {  	v45 =	vld [tilespmem:s28+$0xD0];
	v29 =	vmul.f32 v29, v30;
	v28 =	vmul.f32 v28, v16;
	v5 =	vadd.f32 $1.428571490e-01, v3  }
0xdc: {  	v46 =	vld [tilespmem:s28+$0xFFFFFF90];
	v43 =	vmul.f32 v55, v42;
	v14 =	vbroadcast v17, $0x3  }
0xdd: {  	v47 =	vld [tilespmem:s28+$0xFFFFFFB0];
	v34 =	vbroadcast v17, $0x2;
	v2 =	vmax.f32 v2, $1.000000010e-10;
	v7 =	vmul.f32 v5, v19  }
0xde: {  	v52 =	vld [tilespmem:s28+$0xFFFFFEB0];
	v21 =	vmul.f32 v2, v4;
	v2 =	vbroadcast v17, $0x7  }
0xdf: {  	v53 =	vld [tilespmem:s28+$0xFFFFFE90];
	v4 =	vbroadcast v17, $0x6;
	v3 =	vbroadcast v17, $0x1;
	v9 =	vadd.f32 $2.000000030e-01, v7  }
0xe0: {  	v54 =	vld [tilespmem:s28+$0xFFFFFF50];
	v13 =	vshra.s32 v13, $0x17;
	v5 =	vbroadcast v17, $0x0;
	v7 =	vbroadcast v17, $0x5  }
0xe1: {  	v26 =	vld [tilespmem:s28+$0x70];
	v25 =	vmul.f32 v9, v19;
	v9 =	vbroadcast v17, $0x4;
	v17 =	vand.u32 $0x7FFFFF, v21  }
0xe2: {  	v57 =	vld [tilespmem:s28+$0xF0];
	v32 =	vmul.f32 v63, v33;
	v43 =	vadd.f32 $0.0e+00, v43;
	v39 =	vor.u32 $0x3F800000, v17  }
0xe3: {  	v23 =	vld [tilespmem:s28+$0x90];
	v35 =	vmul.f32 v52, v37;
	v44 =	vmul.f32 v44, v38;
	vm1 =	vgt.f32 v39, $1.414213540e+00  }
0xe4: {  	v48 =	vld [tilespmem:s28+$0x110];
	v32 =	vadd.f32 v32, v43;
	v21 =	vshra.s32 v21, $0x17;
	v17 =	vsel vm1, $0xFFFFFF82, v0  }
0xe5: {  	v60 =	vld [tilespmem:s28+$0x130];
	v45 =	vmul.f32 v45, v34;
	v17 =	vadd.s32 v21, v17;
	v21 =	vmul.f32 v53, v40  }
0xe6: {  	v50 =	vld [tilespmem:s28+$0x170];
	v26 =	vmul.f32 v26, v10;
	v56 =	vmul.f32 v54, v20;
	v28 =	vadd.f32 v28, v32  }
0xe7: {  	v49 =	vld [tilespmem:s28+$0xFFFFFFD0];
	v41 =	vmul.f32 v57, v14;
	v62 =	vadd.f32 $0.0e+00, v45;
	v21 =	vadd.f32 $0.0e+00, v21  }
0xe8: {  	v54 =	vld [tilespmem:s28+$0xFFFFFF60];
	v36 =	vadd.f32 $0.0e+00, v56;
	v26 =	vadd.f32 v26, v28;
	v23 =	vmul.f32 v23, v5  }
0xe9: {  	v45 =	vld [tilespmem:s28+$0x150];
	v41 =	vadd.f32 v41, v62;
	v48 =	vmul.f32 v48, v9;
	v21 =	vadd.f32 v35, v21  }
0xea: {  	v59 =	vmul.f32 v46, v31;
	v56 =	vld [tilespmem:s28+$0xFFFFFEE0];
	v58 =	vadd.f32 v44, v36;
	v23 =	vadd.f32 v23, v26  }
0xeb: {  	v61 =	vld [tilespmem:s28+$0xFFFFFFF0];
	v51 =	vmul.f32 v60, v7;
	v28 =	vadd.f32 v48, v41;
	v21 =	vadd.f32 v29, v21  }
0xec: {  	v63 =	vmul.f32 v47, v15;
	v55 =	vld [tilespmem:s28+$0x0];
	v25 =	vadd.f32 $3.333333430e-01, v25;
	v29 =	vadd.f32 v59, v58  }
0xed: {  	v47 =	vld [tilespmem:s28+$0xB0];
	v32 =	vmul.f32 v54, v38;
	v26 =	vadd.f32 v51, v28;
	v21 =	vadd.f32 v27, v21  }
0xee: {  	v52 =	vld [tilespmem:s28+$0xFFFFFE80];
	v28 =	vmul.f32 v45, v4;
	v27 =	vadd.f32 v63, v29;
	v29 =	vmul.f32 v49, v11  }
0xef: {  	v18 =	vmul.f32 v56, v18;
	v19 =	vmul.f32 v25, v19;
	v21 =	vadd.f32 v24, v21  }
0xf0: {  	v26 =	vadd.f32 v28, v26;
	v59 =	vld [tilespmem:s28+$0xFFFFFFC0];
	v24 =	vadd.f32 v29, v27;
	v27 =	vmul.f32 v61, v8  }
0xf1: {  	v28 =	vmul.f32 v50, v2;
	v35 =	vmul.f32 v55, v42;
	v29 =	vld [tilespmem:s28+$0xFFFFFF40];
	v21 =	vadd.f32 v22, v21  }
0xf2: {  	v53 =	vld [tilespmem:s28+$0xFFFFFEA0];
	v22 =	vadd.f32 v27, v24;
	v24 =	vmul.f32 v47, v3;
	v27 =	vsel vm0, $0xFFFFFF82, v0  }
0xf3: {  	v25 =	vadd.f32 v28, v26;
	v26 =	vmul.f32 v52, v40;
	v13 =	vadd.s32 v13, v27  }
0xf4: {  	v27 =	vld [tilespmem:s28+$0x20];
	v21 =	vmax.f32 v21, $1.000000010e-10;
	v22 =	vmax.f32 v22, $1.000000010e-10;
	v23 =	vadd.f32 v24, v23  }
0xf5: {  	v35 =	vadd.f32 $0.0e+00, v35;
	v11 =	vmul.f32 v59, v11;
	v24 =	vld [tilespmem:s28+$0xFFFFFEC0];
	v21 =	vmul.f32 v22, v21  }
0xf6: {  	v13 =	vcvt.s32.f32 v13;
	v22 =	vld [tilespmem:s28+$0xFFFFFF80];
	v20 =	vmul.f32 v29, v20;
	v23 =	vmax.f32 v23, $1.000000010e-10  }
0xf7: {  	v26 =	vadd.f32 $0.0e+00, v26;
	v29 =	vmul.f32 v53, v37;
	v21 =	vmul.f32 v23, v21  }
0xf8: {  	v28 =	vld [tilespmem:s28+$0xC0];
	v25 =	vmax.f32 v25, $1.000000010e-10;
	v13 =	vmul.f32 $6.931471820e-01, v13;
	v23 =	vmul.f32 $5.000000000e-01, v39  }
0xf9: {  	v20 =	vadd.f32 $0.0e+00, v20;
	v26 =	vadd.f32 v29, v26;
	v29 =	vld [tilespmem:s28+$0x40];
	v25 =	vmul.f32 v25, v21  }
0xfa: {  	v27 =	vmul.f32 v27, v33;
	v21 =	vsel vm1, v23, v39;
	v23 =	vld [tilespmem:s28+$0xFFFFFFA0];
	v24 =	vmul.f32 v24, v30  }
0xfb: {  	v30 =	vld [tilespmem:s28+$0xE0];
	v20 =	vadd.f32 v32, v20;
	v22 =	vmul.f32 v22, v31;
	v57 =	vand.u32 $0x7FFFFF, v25  }
0xfc: {  	v31 =	vld [tilespmem:s28+$0xFFFFFF00];
	v27 =	vadd.f32 v27, v35;
	v24 =	vadd.f32 v24, v26;
	v37 =	vor.u32 $0x3F800000, v57  }
0xfd: {  	v26 =	vmul.f32 v28, v34;
	v28 =	vld [tilespmem:s28+$0x60];
	v25 =	vshra.s32 v25, $0x17;
	v58 =	vmul.f32 $5.000000000e-01, v37  }
0xfe: {  	v20 =	vadd.f32 v22, v20;
	v22 =	vld [tilespmem:s28+$0x100];
	v16 =	vmul.f32 v29, v16;
	vm0 =	vgt.f32 v37, $1.414213540e+00  }
0xff: {  	v29 =	vld [tilespmem:s28+$0x80];
	v26 =	vadd.f32 $0.0e+00, v26;
	v18 =	vadd.f32 v18, v24;
	v32 =	vsel vm0, v58, v37  }
0x100: {  	v24 =	vld [tilespmem:s28+$0xFFFFFFE0];
	v15 =	vmul.f32 v23, v15;
	v14 =	vmul.f32 v30, v14;
	v60 =	vadd.f32 $1.000000000e+00, v32  }
0x101: {  	v30 =	vadd.f32 $1.000000000e+00, v21;
	v16 =	vadd.f32 v16, v27;
	v62 =	vsel vm0, $0xFFFFFF82, v0  }
0x102: {  	v23 =	vld [tilespmem:s28+$0xFFFFFF20];
	v12 =	vmul.f32 v31, v12;
	v25 =	vadd.s32 v25, v62;
	(erf) = vrcp.f32 v60  }
0x103: {  	s29 =	simm.s32 $0x40;
	v15 =	vadd.f32 v15, v20;
	v20 =	vld [tilespmem:s28+$0x120];
	v14 =	vadd.f32 v14, v26;
	v10 =	vmul.f32 v28, v10  }
0x104: {  	v26 =	vld [tilespmem:s29+$0x65F0];
	v25 =	vcvt.s32.f32 v25;
	v12 =	vadd.f32 v12, v18;
	v9 =	vmul.f32 v22, v9  }
0x105: {  	v18 =	vld [tilespmem:s28+$0xA0];
	v5 =	vmul.f32 v29, v5;
	v11 =	vadd.f32 v11, v15;
	v8 =	vmul.f32 v24, v8  }
0x106: {  	v15 =	vld [tilespmem:s28+$0x140];
	v10 =	vadd.f32 v10, v16;
	v25 =	vmul.f32 $6.931471820e-01, v25;
	(erf) = vrcp.f32 v30  }
0x107: {  	v6 =	vmul.f32 v23, v6;
	v9 =	vadd.f32 v9, v14;
	v8 =	vadd.f32 v8, v11  }
0x108: {  	v14 =	vld [tilespmem:s28+$0x160];
	v11 =	vcvt.s32.f32 v17;
	v5 =	vadd.f32 v5, v10;
	v7 =	vmul.f32 v20, v7  }
0x109: {  	v6 =	vadd.f32 v6, v12;
	v12 =	vbroadcast v26, $0x5;
	v16 =	vbroadcast v26, $0x4  }
0x10a: {  	v10 =	vadd.f32 $-1.000000000e+00, v32;
	v17 =	vbroadcast v26, $0xA;
	v20 =	vbroadcast v26, $0x9  }
0x10b: {  	v3 =	vmul.f32 v18, v3;
	v7 =	vadd.f32 v7, v9;
	v4 =	vmul.f32 v15, v4;
	v9 =	vpop (erf)  }
0x10c: {  	v8 =	vmax.f32 v8, $1.000000010e-10;
	v6 =	vmax.f32 v6, $1.000000010e-10;
	v15 =	vmul.f32 v9, v10  }
0x10d: {  	s30 =	simm.s32 $0x780;
	v3 =	vadd.f32 v3, v5;
	v2 =	vmul.f32 v14, v2;
	v4 =	vadd.f32 v4, v7  }
0x10e: {  	v54 =	vld [tilespmem:s30+$0xFFFFFE90];
	v5 =	vmul.f32 v8, v6;
	v24 =	vmul.f32 v15, v15  }
0x10f: {  	v56 =	vld [tilespmem:s30+$0xFFFFFF70];
	v22 =	vbroadcast v26, $0xE;
	v7 =	vmax.f32 v3, $1.000000010e-10;
	v2 =	vadd.f32 v2, v4  }
0x110: {  	v28 =	vld [tilespmem:s30+$0xFFFFFF30];
	v4 =	vmul.f32 v7, v5;
	v5 =	vmul.f32 $1.111111120e-01, v24  }
0x111: {  	v52 =	vld [tilespmem:s30+$0xFFFFFEB0];
	v35 =	vbroadcast v26, $0x2;
	v36 =	vbroadcast v26, $0x8;
	v2 =	vmax.f32 v2, $1.000000010e-10  }
0x112: {  	v55 =	vld [tilespmem:s30+$0x10];
	v39 =	vbroadcast v26, $0xD;
	v27 =	vmul.f32 v2, v4;
	v2 =	vadd.f32 $1.428571490e-01, v5  }
0x113: {  	v57 =	vld [tilespmem:s30+$0x30];
	v41 =	vbroadcast v26, $0x1;
	v42 =	vbroadcast v26, $0x7  }
0x114: {  	v63 =	vld [tilespmem:s30+$0xFFFFFED0];
	v44 =	vbroadcast v26, $0x0;
	v2 =	vmul.f32 v2, v24  }
0x115: {  	v1 =	vadd.f32 v1, v1;
	v45 =	vbroadcast v26, $0xC;
	v28 =	vmul.f32 v28, v12  }
0x116: {  	v30 =	vld [tilespmem:s30+$0xFFFFFF10];
	v40 =	vmul.f32 v54, v44;
	v37 =	vmul.f32 v52, v41;
	v5 =	vadd.f32 $2.000000030e-01, v2  }
0x117: {  	v19 =	vadd.f32 $1.000000000e+00, v19;
	v23 =	vld [tilespmem:s29+$0x6600];
	v43 =	vmul.f32 v55, v45;
	v46 =	vmul.f32 v56, v42  }
0x118: {  	v48 =	vmul.f32 v57, v39;
	v5 =	vmul.f32 v5, v24  }
0x119: {  	v59 =	vld [tilespmem:s30+$0x110];
	v34 =	vmul.f32 v63, v35;
	v14 =	vmul.f32 v19, v1  }
0x11a: {  	v32 =	vld [tilespmem:s30+$0x70];
	v1 =	vmul.f32 $6.931471820e-01, v11;
	v11 =	vbroadcast v26, $0xB;
	v31 =	vadd.f32 $3.333333430e-01, v5  }
0x11b: {  	v30 =	vmul.f32 v30, v16;
	v18 =	vadd.f32 v14, v13;
	v14 =	vbroadcast v26, $0xF  }
0x11c: {  	v21 =	vadd.f32 $-1.000000000e+00, v21;
	v13 =	vbroadcast v23, $0x4;
	v24 =	vmul.f32 v31, v24  }
0x11d: {  	v63 =	vld [tilespmem:s30+$0x150];
	v40 =	vadd.f32 $0.0e+00, v40;
	v7 =	vbroadcast v23, $0x6;
	v9 =	vbroadcast v23, $0x0  }
0x11e: {  	v61 =	vld [tilespmem:s30+$0xFFFFFEF0];
	v10 =	vbroadcast v23, $0x5;
	v15 =	vadd.f32 v15, v15;
	v24 =	vadd.f32 $1.000000000e+00, v24  }
0x11f: {  	v29 =	vld [tilespmem:s30+$0x90];
	v37 =	vadd.f32 v37, v40;
	v6 =	vpop (erf);
	v32 =	vmul.f32 v32, v14;
	v40 =	vmul.f32 v59, v13  }
0x120: {  	v43 =	vadd.f32 $0.0e+00, v43;
	v3 =	vmul.f32 v6, v21;
	v15 =	vmul.f32 v24, v15;
	v24 =	vld [tilespmem:s30+$0xFFFFFF50]  }
0x121: {  	v51 =	vld [tilespmem:s30+$0xFFFFFFB0];
	v6 =	vbroadcast v23, $0x1;
	v21 =	vbroadcast v26, $0x3  }
0x122: {  	v58 =	vld [tilespmem:s30+$0xD0];
	v43 =	vadd.f32 v48, v43;
	v26 =	vbroadcast v26, $0x6;
	v59 =	vmul.f32 v63, v7  }
0x123: {  	v34 =	vadd.f32 v34, v37;
	v4 =	vbroadcast v23, $0x7;
	v33 =	vmul.f32 v61, v21;
	v31 =	vld [tilespmem:s30+$0x50]  }
0x124: {  	v8 =	vmul.f32 v3, v3;
	v15 =	vadd.f32 v15, v25;
	v25 =	vmul.f32 v29, v9;
	v29 =	vld [tilespmem:s30+$0xFFFFFF90]  }
0x125: {  	v50 =	vld [tilespmem:s30+$0xF0];
	v33 =	vadd.f32 v33, v34;
	v2 =	vimm.f32 $0.0e+00;
	v24 =	vmul.f32 v24, v26  }
0x126: {  	v60 =	vld [tilespmem:s30+$0xFFFFFFD0];
	v5 =	vadd.f32 v18, v2;
	v18 =	vbroadcast v23, $0x3;
	v23 =	vbroadcast v23, $0x2  }
0x127: {  	v61 =	vld [tilespmem:s30+$0x130];
	v53 =	vand.u32 $0x7FFFFF, v27;
	v27 =	vshra.s32 v27, $0x17;
	v24 =	vadd.f32 $0.0e+00, v24  }
0x128: {  	v57 =	vld [tilespmem:s30+$0xFFFFFF40];
	v38 =	vor.u32 $0x3F800000, v53;
	v30 =	vadd.f32 v30, v33;
	v49 =	vmul.f32 v58, v23  }
0x129: {  	v53 =	vld [tilespmem:s30+$0x170];
	v31 =	vmul.f32 v31, v22;
	v29 =	vmul.f32 v29, v36;
	v24 =	vadd.f32 v46, v24  }
0x12a: {  	v62 =	vld [tilespmem:s30+$0xFFFFFFF0];
	v28 =	vadd.f32 v28, v30;
	v50 =	vmul.f32 v50, v18;
	v49 =	vadd.f32 $0.0e+00, v49  }
0x12b: {  	v30 =	vld [tilespmem:s30+$0xFFFFFF60];
	v31 =	vadd.f32 v31, v43;
	v24 =	vadd.f32 v29, v24;
	v29 =	vmul.f32 v51, v20  }
0x12c: {  	v52 =	vld [tilespmem:s30+$0xB0];
	v19 =	vmul.f32 $1.111111120e-01, v8;
	v56 =	vmul.f32 v61, v10;
	v49 =	vadd.f32 v50, v49  }
0x12d: {  	v58 =	vld [tilespmem:s30+$0xFFFFFEA0];
	v31 =	vadd.f32 v32, v31;
	v24 =	vadd.f32 v29, v24;
	v29 =	vmul.f32 v60, v17  }
0x12e: {  	v48 =	vld [tilespmem:s30+$0xFFFFFF80];
	v61 =	vmul.f32 v53, v4;
	v55 =	vadd.f32 v40, v49;
	v26 =	vmul.f32 v57, v26  }
0x12f: {  	v54 =	vld [tilespmem:s30+$0xFFFFFE80];
	v25 =	vadd.f32 v25, v31;
	v24 =	vadd.f32 v29, v24;
	v29 =	vmul.f32 v62, v11  }
0x130: {  	v30 =	vmul.f32 v30, v42;
	v49 =	vld [tilespmem:s30+$0x20];
	v31 =	vadd.f32 v56, v55;
	v26 =	vadd.f32 $0.0e+00, v26  }
0x131: {  	v28 =	vmax.f32 v28, $1.000000010e-10;
	v56 =	vld [tilespmem:s30+$0xE0];
	v24 =	vadd.f32 v29, v24;
	v29 =	vmul.f32 v52, v6  }
0x132: {  	v50 =	vmul.f32 v58, v41;
	v31 =	vadd.f32 v59, v31;
	v26 =	vadd.f32 v30, v26;
	v60 =	vld [tilespmem:s30+$0x0]  }
0x133: {  	v63 =	vld [tilespmem:s30+$0xFFFFFEC0];
	v30 =	vmul.f32 v48, v36;
	v24 =	vmax.f32 v24, $1.000000010e-10;
	v25 =	vadd.f32 v29, v25  }
0x134: {  	vm0 =	vgt.f32 v38, $1.414213540e+00;
	v51 =	vld [tilespmem:s30+$0xFFFFFEE0];
	v29 =	vmul.f32 v54, v44;
	v24 =	vmul.f32 v24, v28  }
0x135: {  	v33 =	vmul.f32 v49, v39;
	v31 =	vadd.f32 v61, v31;
	v52 =	vld [tilespmem:s30+$0xFFFFFFA0];
	v25 =	vmax.f32 v25, $1.000000010e-10  }
0x136: {  	v26 =	vadd.f32 v30, v26;
	v29 =	vadd.f32 $0.0e+00, v29;
	v24 =	vmul.f32 v25, v24;
	v25 =	vld [tilespmem:s30+$0xC0]  }
0x137: {  	v30 =	vld [tilespmem:s30+$0xFFFFFFC0];
	v18 =	vmul.f32 v56, v18;
	v31 =	vmax.f32 v31, $1.000000010e-10;
	v53 =	vmul.f32 v60, v45  }
0x138: {  	v29 =	vadd.f32 v50, v29;
	v31 =	vmul.f32 v31, v24;
	v24 =	vmul.f32 v63, v35  }
0x139: {  	v19 =	vadd.f32 $1.428571490e-01, v19;
	v62 =	vmul.f32 $5.000000000e-01, v38;
	v21 =	vmul.f32 v51, v21;
	v54 =	vld [tilespmem:s30+$0x40]  }
0x13a: {  	v55 =	vadd.f32 $0.0e+00, v53;
	v57 =	vand.u32 $0x7FFFFF, v31;
	v24 =	vadd.f32 v24, v29;
	v29 =	vld [tilespmem:s30+$0xFFFFFF00]  }
0x13b: {  	v59 =	vld [tilespmem:s30+$0x60];
	v20 =	vmul.f32 v52, v20;
	v23 =	vmul.f32 v25, v23;
	v25 =	vor.u32 $0x3F800000, v57  }
0x13c: {  	v47 =	vsel vm0, $0xFFFFFF82, v0;
	v17 =	vmul.f32 v30, v17;
	v58 =	vmul.f32 $5.000000000e-01, v25  }
0x13d: {  	v33 =	vadd.f32 v33, v55;
	v20 =	vadd.f32 v20, v26;
	v26 =	vld [tilespmem:s30+$0xFFFFFFE0];
	vm1 =	vgt.f32 v25, $1.414213540e+00  }
0x13e: {  	v22 =	vmul.f32 v54, v22;
	v21 =	vadd.f32 v21, v24;
	v24 =	vld [tilespmem:s30+$0xFFFFFF20];
	v25 =	vsel vm1, v58, v25  }
0x13f: {  	v23 =	vadd.f32 $0.0e+00, v23;
	v61 =	vadd.f32 $1.000000000e+00, v25;
	v16 =	vmul.f32 v29, v16;
	v29 =	vld [tilespmem:s30+$0x80]  }
0x140: {  	v14 =	vmul.f32 v59, v14;
	v60 =	vld [tilespmem:s30+$0x100];
	v28 =	vsel vm0, v62, v38;
	v22 =	vadd.f32 v22, v33  }
0x141: {  	v17 =	vadd.f32 v17, v20;
	v20 =	vld [tilespmem:s30+$0xA0];
	v18 =	vadd.f32 v18, v23;
	(erf) = vrcp.f32 v61  }
0x142: {  	v23 =	vadd.s32 v27, v47;
	v27 =	vadd.f32 $1.000000000e+00, v28;
	v16 =	vadd.f32 v16, v21;
	v21 =	vld [tilespmem:s30+$0x120]  }
0x143: {  	v14 =	vadd.f32 v14, v22;
	v22 =	vld [tilespmem:s30+$0x160];
	v11 =	vmul.f32 v26, v11;
	v12 =	vmul.f32 v24, v12  }
0x144: {  	v24 =	vld [tilespmem:s30+$0x140];
	(erf) = vrcp.f32 v27;
	v9 =	vmul.f32 v29, v9  }
0x145: {  	v19 =	vmul.f32 v19, v8;
	v13 =	vmul.f32 v60, v13;
	v28 =	vadd.f32 $-1.000000000e+00, v28  }
0x146: {  	v31 =	vshra.s32 v31, $0x17;
	v11 =	vadd.f32 v11, v17;
	v9 =	vadd.f32 v9, v14  }
0x147: {  	v6 =	vmul.f32 v20, v6;
	v13 =	vadd.f32 v13, v18;
	v10 =	vmul.f32 v21, v10  }
0x148: {  	v11 =	vmax.f32 v11, $1.000000010e-10;
	v4 =	vmul.f32 v22, v4;
	v12 =	vadd.f32 v12, v16  }
0x149: {  	v7 =	vmul.f32 v24, v7;
	v10 =	vadd.f32 v10, v13;
	v13 =	vadd.f32 $-1.000000000e+00, v25  }
0x14a: {  	s31 =	simm.s32 $0x58;
	v16 =	vadd.f32 $2.000000030e-01, v19;
	v12 =	vmax.f32 v12, $1.000000010e-10;
	v6 =	vadd.f32 v6, v9;
	v9 =	vpop (erf)  }
0x14b: {  	v34 =	vld [tilespmem:s31+$0x65F0];
	v11 =	vmul.f32 v11, v12;
	v7 =	vadd.f32 v7, v10;
	v13 =	vmul.f32 v9, v13  }
0x14c: {  	v6 =	vmax.f32 v6, $1.000000010e-10;
	v10 =	vmul.f32 v16, v8;
	v9 =	vcvt.s32.f32 v23  }
0x14d: {  	v6 =	vmul.f32 v6, v11;
	v11 =	vadd.f32 v4, v7;
	v4 =	vpop (erf);
	v27 =	vmul.f32 v13, v13  }
0x14e: {  	v63 =	vsel vm1, $0xFFFFFF82, v0;
	v12 =	vmul.f32 v4, v28;
	v4 =	vmul.f32 $6.931471820e-01, v9  }
0x14f: {  	v9 =	vadd.f32 $3.333333430e-01, v10;
	v10 =	vmax.f32 v11, $1.000000010e-10;
	v11 =	vmul.f32 $1.111111120e-01, v27  }
0x150: {  	v26 =	vbroadcast v34, $0x3;
	v32 =	vadd.s32 v31, v63;
	v29 =	vld [tilespmem:s31+$0x6600];
	v23 =	vmul.f32 v10, v6  }
0x151: {  	v17 =	vbroadcast v34, $0xB;
	v20 =	vbroadcast v34, $0xF;
	v11 =	vadd.f32 $1.428571490e-01, v11  }
0x152: {  	v33 =	vcvt.s32.f32 v32;
	v62 =	vmul.f32 v9, v8;
	v9 =	vand.u32 $0x7FFFFF, v23  }
0x153: {  	v22 =	vbroadcast v34, $0xA;
	v18 =	vor.u32 $0x3F800000, v9;
	v9 =	vmul.f32 v11, v27  }
0x154: {  	v21 =	vbroadcast v34, $0x4;
	v24 =	vbroadcast v34, $0x9  }
0x155: {  	v14 =	vbroadcast v29, $0x0;
	v16 =	vbroadcast v34, $0x5;
	v19 =	vadd.f32 $2.000000030e-01, v9  }
0x156: {  	s19 =	simm.s32 $0xA80;
	v7 =	vadd.f32 v3, v3;
	v3 =	vadd.f32 v15, v5;
	v15 =	vbroadcast v29, $0x5  }
0x157: {  	v37 =	vld [tilespmem:s19+$0xFFFFFF10];
	v32 =	vadd.f32 v13, v13;
	v6 =	vmul.f32 v12, v12;
	v25 =	vmul.f32 v19, v27  }
0x158: {  	v42 =	vld [tilespmem:s19+$0xFFFFFED0];
	v5 =	vadd.f32 v12, v12;
	v8 =	vbroadcast v29, $0x7;
	v10 =	vbroadcast v29, $0x1  }
0x159: {  	v41 =	vld [tilespmem:s19+$0x30];
	v12 =	vmul.f32 $1.111111120e-01, v6;
	v28 =	vshra.s32 v23, $0x17;
	v30 =	vadd.f32 $3.333333430e-01, v25  }
0x15a: {  	v40 =	vld [tilespmem:s19+$0x50];
	v23 =	vbroadcast v29, $0x3;
	v11 =	vbroadcast v29, $0x6;
	vm0 =	vgt.f32 v18, $1.414213540e+00  }
0x15b: {  	v39 =	vld [tilespmem:s19+$0xFFFFFEF0];
	v9 =	vadd.f32 $1.428571490e-01, v12;
	v12 =	vsel vm0, $0xFFFFFF82, v0;
	v30 =	vmul.f32 v30, v27  }
0x15c: {  	v36 =	vld [tilespmem:s19+$0x90];
	v12 =	vadd.s32 v28, v12;
	v28 =	vbroadcast v34, $0x2;
	v19 =	vbroadcast v29, $0x4  }
0x15d: {  	v35 =	vld [tilespmem:s19+$0xFFFFFF30];
	v29 =	vbroadcast v29, $0x2;
	v25 =	vbroadcast v34, $0xE;
	v31 =	vadd.f32 $1.000000000e+00, v30  }
0x15e: {  	s20 =	simm.s32 $0x1C0;
	v38 =	vld [tilespmem:s19+$0x70];
	v13 =	vadd.f32 $1.000000000e+00, v62;
	v27 =	vbroadcast v34, $0x8;
	v30 =	vbroadcast v34, $0xD  }
.LBB2_5:
0x15f: {  	p2 =	sne.s32 s20, $0xBE0;
	v43 =	vld [tilespmem:s19+$0xFFFFFEB0];
	v33 =	vmul.f32 $6.931471820e-01, v33;
	v31 =	vmul.f32 v31, v32  }
0x160: {  	v44 =	vbroadcast v34, $0x1;
	v45 =	vbroadcast v34, $0x7;
	v32 =	vld [tilespmem:s19+$0xFFFFFE90]  }
0x161: {  	v46 =	vbroadcast v34, $0x0;
	v48 =	vbroadcast v34, $0xC;
	v47 =	vld [tilespmem:s19+$0xFFFFFF50];
	v31 =	vadd.f32 v31, v33  }
0x162: {  	v34 =	vbroadcast v34, $0x6;
	v33 =	vmul.f32 v35, v16;
	v35 =	vld [tilespmem:s19+$0x10]  }
0x163: {  	v37 =	vmul.f32 v37, v21;
	v36 =	vmul.f32 v36, v14;
	v49 =	vld [tilespmem:s19+$0xFFFFFF70];
	v3 =	vadd.f32 v31, v3  }
0x164: {  	v38 =	vmul.f32 v38, v20;
	v31 =	vmul.f32 v39, v26;
	v39 =	vld [tilespmem:s19+$0xD0]  }
0x165: {  	v42 =	vmul.f32 v42, v28;
	v40 =	vmul.f32 v40, v25;
	v50 =	vld [tilespmem:s19+$0xFFFFFF90]  }
0x166: {  	v32 =	vmul.f32 v32, v46;
	v47 =	vmul.f32 v47, v34;
	v51 =	vld [tilespmem:s19+$0xF0]  }
0x167: {  	v43 =	vmul.f32 v43, v44;
	v52 =	vld [tilespmem:s19+$0xFFFFFFB0];
	v35 =	vmul.f32 v35, v48  }
0x168: {  	v32 =	vadd.f32 $0.0e+00, v32;
	v47 =	vadd.f32 $0.0e+00, v47;
	v49 =	vmul.f32 v49, v45;
	v53 =	vld [tilespmem:s19+$0x110]  }
0x169: {  	v41 =	vmul.f32 v41, v30;
	v54 =	vld [tilespmem:s19+$0xFFFFFFD0];
	v35 =	vadd.f32 $0.0e+00, v35;
	v39 =	vmul.f32 v39, v29  }
0x16a: {  	v32 =	vadd.f32 v43, v32;
	v43 =	vadd.f32 v49, v47;
	v47 =	vmul.f32 v50, v27;
	v49 =	vld [tilespmem:s19+$0x130]  }
0x16b: {  	v50 =	vld [tilespmem:s19+$0xFFFFFFF0];
	v35 =	vadd.f32 v41, v35;
	v39 =	vadd.f32 $0.0e+00, v39;
	v41 =	vmul.f32 v51, v23  }
0x16c: {  	v32 =	vadd.f32 v42, v32;
	v42 =	vadd.f32 v47, v43;
	v43 =	vmul.f32 v52, v24;
	v47 =	vld [tilespmem:s19+$0x150]  }
0x16d: {  	v35 =	vadd.f32 v40, v35;
	v40 =	vld [tilespmem:s19+$0xB0];
	v39 =	vadd.f32 v41, v39;
	v41 =	vmul.f32 v53, v19  }
0x16e: {  	v31 =	vadd.f32 v31, v32;
	v32 =	vadd.f32 v43, v42;
	v42 =	vmul.f32 v54, v22;
	v43 =	vld [tilespmem:s19+$0x170]  }
0x16f: {  	v51 =	vld [tilespmem:s19+$0xFFFFFE80];
	v35 =	vadd.f32 v38, v35;
	v38 =	vadd.f32 v41, v39;
	v39 =	vmul.f32 v49, v15  }
0x170: {  	v31 =	vadd.f32 v37, v31;
	v37 =	vld [tilespmem:s19+$0xFFFFFF40];
	v32 =	vadd.f32 v42, v32;
	v41 =	vmul.f32 v50, v17  }
0x171: {  	v42 =	vld [tilespmem:s19+$0xFFFFFEA0];
	v35 =	vadd.f32 v36, v35;
	v36 =	vadd.f32 v39, v38;
	v38 =	vmul.f32 v47, v11  }
0x172: {  	v31 =	vadd.f32 v33, v31;
	v33 =	vld [tilespmem:s19+$0xFFFFFF60];
	v32 =	vadd.f32 v41, v32;
	v39 =	vmul.f32 v40, v10  }
0x173: {  	v41 =	vmul.f32 $5.000000000e-01, v18;
	v40 =	vld [tilespmem:s19+$0x0];
	v36 =	vadd.f32 v38, v36;
	v38 =	vmul.f32 v43, v8  }
0x174: {  	v31 =	vmax.f32 v31, $1.000000010e-10;
	v43 =	vld [tilespmem:s19+$0xFFFFFEC0];
	v32 =	vmax.f32 v32, $1.000000010e-10;
	v35 =	vadd.f32 v39, v35  }
0x175: {  	v39 =	vmul.f32 v51, v46;
	v18 =	vsel vm0, v41, v18;
	v46 =	vld [tilespmem:s19+$0xFFFFFF80];
	v31 =	vmul.f32 v32, v31  }
0x176: {  	v32 =	vmul.f32 v37, v34;
	v36 =	vadd.f32 v38, v36;
	v34 =	vld [tilespmem:s19+$0x20];
	v35 =	vmax.f32 v35, $1.000000010e-10  }
0x177: {  	v37 =	vadd.f32 $0.0e+00, v39;
	v38 =	vmul.f32 v42, v44;
	v31 =	vmul.f32 v35, v31;
	v35 =	vld [tilespmem:s19+$0xC0]  }
0x178: {  	v32 =	vadd.f32 $0.0e+00, v32;
	v33 =	vmul.f32 v33, v45;
	v36 =	vmax.f32 v36, $1.000000010e-10;
	v39 =	vld [tilespmem:s19+$0xFFFFFEE0]  }
0x179: {  	v37 =	vadd.f32 v38, v37;
	v40 =	vmul.f32 v40, v48;
	v38 =	vld [tilespmem:s19+$0xFFFFFFA0];
	v31 =	vmul.f32 v36, v31  }
0x17a: {  	v28 =	vmul.f32 v43, v28;
	v32 =	vadd.f32 v33, v32;
	v27 =	vmul.f32 v46, v27;
	v33 =	vld [tilespmem:s19+$0x40]  }
0x17b: {  	v36 =	vadd.f32 $0.0e+00, v40;
	v30 =	vmul.f32 v34, v30;
	v34 =	vld [tilespmem:s19+$0xE0];
	v40 =	vand.u32 $0x7FFFFF, v31  }
0x17c: {  	v28 =	vadd.f32 v28, v37;
	v37 =	vld [tilespmem:s19+$0xFFFFFF00];
	v29 =	vmul.f32 v35, v29;
	v35 =	vor.u32 $0x3F800000, v40  }
0x17d: {  	v27 =	vadd.f32 v27, v32;
	v32 =	vld [tilespmem:s19+$0xFFFFFFC0];
	v30 =	vadd.f32 v30, v36;
	v36 =	vmul.f32 $5.000000000e-01, v35  }
0x17e: {  	v26 =	vmul.f32 v39, v26;
	vm1 =	vgt.f32 v35, $1.414213540e+00;
	v39 =	vld [tilespmem:s19+$0x60];
	v29 =	vadd.f32 $0.0e+00, v29  }
0x17f: {  	v24 =	vmul.f32 v38, v24;
	v25 =	vmul.f32 v33, v25;
	v33 =	vld [tilespmem:s19+$0x100];
	v35 =	vsel vm1, v36, v35  }
0x180: {  	v26 =	vadd.f32 v26, v28;
	v28 =	vld [tilespmem:s19+$0xFFFFFF20];
	v23 =	vmul.f32 v34, v23;
	v34 =	vadd.f32 $1.000000000e+00, v35  }
0x181: {  	v24 =	vadd.f32 v24, v27;
	v21 =	vmul.f32 v37, v21;
	v27 =	vld [tilespmem:s19+$0xFFFFFFE0];
	v25 =	vadd.f32 v25, v30  }
0x182: {  	v22 =	vmul.f32 v32, v22;
	v30 =	vld [tilespmem:s19+$0x80];
	v23 =	vadd.f32 v23, v29;
	(erf) = vrcp.f32 v34  }
0x183: {  	v29 =	vadd.f32 $1.000000000e+00, v18;
	v21 =	vadd.f32 v21, v26;
	v20 =	vmul.f32 v39, v20;
	v26 =	vld [tilespmem:s19+$0x120]  }
0x184: {  	v18 =	vadd.f32 $-1.000000000e+00, v18;
	v22 =	vadd.f32 v22, v24;
	v24 =	vld [tilespmem:s19+$0xA0];
	v19 =	vmul.f32 v33, v19  }
0x185: {  	v16 =	vmul.f32 v28, v16;
	v20 =	vadd.f32 v20, v25;
	v25 =	vld [tilespmem:s19+$0x140];
	(erf) = vrcp.f32 v29  }
0x186: {  	v9 =	vmul.f32 v9, v6;
	v17 =	vmul.f32 v27, v17;
	v19 =	vadd.f32 v19, v23;
	v23 =	vld [tilespmem:s19+$0x160]  }
0x187: {  	v12 =	vcvt.s32.f32 v12;
	v16 =	vadd.f32 v16, v21;
	v14 =	vmul.f32 v30, v14  }
0x188: {  	v9 =	vadd.f32 $2.000000030e-01, v9;
	v17 =	vadd.f32 v17, v22;
	v15 =	vmul.f32 v26, v15  }
0x189: {  	v16 =	vmax.f32 v16, $1.000000010e-10;
	v20 =	vadd.f32 v14, v20;
	v10 =	vmul.f32 v24, v10  }
0x18a: {  	v15 =	vadd.f32 v15, v19;
	v11 =	vmul.f32 v25, v11;
	v19 =	vadd.f32 $-1.000000000e+00, v35  }
0x18b: {  	v17 =	vmax.f32 v17, $1.000000010e-10;
	v20 =	vadd.f32 v10, v20;
	v8 =	vmul.f32 v23, v8;
	v14 =	vpop (erf)  }
0x18c: {  	v16 =	vmul.f32 v17, v16;
	v11 =	vadd.f32 v11, v15;
	v29 =	vmul.f32 v14, v19  }
0x18d: {  	s21 =	sshra.s32 s20, $0x2;
	v13 =	vmul.f32 v13, v7;
	v7 =	vmovc v5;
	v9 =	vmul.f32 v9, v6;
	v14 =	vmax.f32 v20, $1.000000010e-10  }
0x18e: {  	v43 =	vld [tilespmem:s21+$0x6600];
	v5 =	vmul.f32 v14, v16;
	v8 =	vadd.f32 v8, v11;
	v27 =	vmul.f32 v29, v29;
	v10 =	vpop (erf)  }
0x18f: {  	v9 =	vadd.f32 $3.333333430e-01, v9;
	v11 =	vmul.f32 $6.931471820e-01, v12;
	v10 =	vmul.f32 v10, v18  }
0x190: {  	v13 =	vadd.f32 v13, v1;
	v1 =	vmovc v4;
	v34 =	vld [tilespmem:s21+$0x65F0];
	v8 =	vmax.f32 v8, $1.000000010e-10;
	v12 =	vmul.f32 $1.111111120e-01, v27  }
0x191: {  	v4 =	vmovc v11;
	v23 =	vmul.f32 v8, v5;
	v14 =	vmul.f32 v10, v10;
	v5 =	vadd.f32 v10, v10  }
0x192: {  	v2 =	vadd.f32 v13, v2;
	v44 =	vmul.f32 v9, v6;
	v11 =	vadd.f32 $1.428571490e-01, v12  }
0x193: {  	v8 =	vbroadcast v43, $0x7;
	v9 =	vand.u32 $0x7FFFFF, v23;
	v12 =	vmul.f32 $1.111111120e-01, v14;
	v6 =	vmovc v14  }
0x194: {  	v10 =	vbroadcast v43, $0x1;
	v18 =	vor.u32 $0x3F800000, v9;
	v9 =	vmul.f32 v11, v27  }
0x195: {  	v11 =	vbroadcast v43, $0x6;
	v16 =	vbroadcast v34, $0x5;
	vm0 =	vgt.f32 v18, $1.414213540e+00  }
0x196: {  	v14 =	vbroadcast v43, $0x0;
	v17 =	vbroadcast v34, $0xB;
	v13 =	vadd.f32 $2.000000030e-01, v9  }
0x197: {  	s19 =	sadd.s32 $0x300, s19;
	v15 =	vbroadcast v43, $0x5;
	v21 =	vbroadcast v34, $0x4;
	v9 =	vadd.f32 $1.428571490e-01, v12  }
0x198: {  	v22 =	vbroadcast v34, $0xA;
	v12 =	vsel vm0, $0xFFFFFF82, v0;
	v35 =	vld [tilespmem:s19+$0xFFFFFF30];
	v13 =	vmul.f32 v13, v27  }
0x199: {  	v19 =	vbroadcast v43, $0x4;
	v28 =	vshra.s32 v23, $0x17;
	v20 =	vbroadcast v34, $0xF;
	v36 =	vld [tilespmem:s19+$0x90]  }
0x19a: {  	v26 =	vbroadcast v34, $0x3;
	v24 =	vbroadcast v34, $0x9;
	v37 =	vld [tilespmem:s19+$0xFFFFFF10];
	v13 =	vadd.f32 $3.333333430e-01, v13  }
.Ltmp5:
0x19b: {  	v23 =	vbroadcast v43, $0x3;
	v25 =	vbroadcast v34, $0xE;
	v12 =	vadd.s32 v28, v12;
	v38 =	vld [tilespmem:s19+$0x70];
	(pc) =	sbr.rel @p2 .LBB2_5-.Ltmp5, $4  }
0x19c: {  	v30 =	vshra.s32 v31, $0x17;
	v31 =	vsel vm1, $0xFFFFFF82, v0;
	v39 =	vld [tilespmem:s19+$0xFFFFFEF0];
	v13 =	vmul.f32 v13, v27  }
0x19d: {  	v30 =	vadd.s32 v30, v31;
	v28 =	vbroadcast v34, $0x2;
	v27 =	vbroadcast v34, $0x8;
	v40 =	vld [tilespmem:s19+$0x50]  }
0x19e: {  	v33 =	vcvt.s32.f32 v30;
	v32 =	vadd.f32 v29, v29;
	v42 =	vld [tilespmem:s19+$0xFFFFFED0];
	v31 =	vadd.f32 $1.000000000e+00, v13  }
0x19f: {  	s20 =	sadd.s32 $0x60, s20;
	v29 =	vbroadcast v43, $0x2;
	v30 =	vbroadcast v34, $0xD;
	v13 =	vadd.f32 $1.000000000e+00, v44;
	v41 =	vld [tilespmem:s19+$0x30]  }
.Ltmp6:
0x1a0: {  	_ = 	snop;
	(pc) =	sbr.rel .LBB2_6-.Ltmp6, $1  }
0x1a1: {  	_ =	sdelay $0x3  }
.LBB2_8:
0x1a2: {  	[tilespmem:s17], [sflag:$0x2] =	stream.linear.gather [hbm4b:s5+s4], $0x800, $0x38;
	[tilespmem:$0x7280] =	vst v63  }
0x1a3: {  	_ =	swait.ge [sflag:s12], $0x800  }
0x1a4: {  	[sflag:s12] =	ssyncset.done $0x0  }
0x1a5: {  	[sflag:s12] =	ssyncadd.s32 $0xFFFFF800  }
0x1a6: {  	v1 =	vld [tilespmem:$0x6A80]  }
0x1a7: {  	v2 =	vld [tilespmem:$0x6A90]  }
0x1a8: {  	v3 =	vld [tilespmem:$0x6B00]  }
0x1a9: {  	v4 =	vld [tilespmem:$0x6B10]  }
0x1aa: {  	v5 =	vld [tilespmem:$0x6B80]  }
0x1ab: {  	v6 =	vld [tilespmem:$0x6B90];
	v1 =	vadd.f32 $0.0e+00, v1  }
0x1ac: {  	v7 =	vld [tilespmem:$0x6C00];
	v2 =	vadd.f32 $0.0e+00, v2  }
0x1ad: {  	v1 =	vadd.f32 v3, v1;
	v3 =	vld [tilespmem:$0x6C10]  }
0x1ae: {  	v44 =	vld [tilespmem:$0x6C80];
	v2 =	vadd.f32 v4, v2  }
0x1af: {  	v45 =	vld [tilespmem:$0x6C90];
	v1 =	vadd.f32 v5, v1  }
0x1b0: {  	v46 =	vld [tilespmem:$0x6D00];
	v2 =	vadd.f32 v6, v2  }
0x1b1: {  	v47 =	vld [tilespmem:$0x6D10];
	v1 =	vadd.f32 v7, v1  }
0x1b2: {  	v2 =	vadd.f32 v3, v2;
	v3 =	vld [tilespmem:$0x6D80]  }
0x1b3: {  	v48 =	vld [tilespmem:$0x6D90];
	v1 =	vadd.f32 v44, v1  }
0x1b4: {  	v49 =	vld [tilespmem:$0x6E00];
	v2 =	vadd.f32 v45, v2  }
0x1b5: {  	v50 =	vld [tilespmem:$0x6E10];
	v1 =	vadd.f32 v46, v1  }
0x1b6: {  	v51 =	vld [tilespmem:$0x6E80];
	v2 =	vadd.f32 v47, v2  }
0x1b7: {  	v1 =	vadd.f32 v3, v1;
	v3 =	vld [tilespmem:$0x6E90]  }
0x1b8: {  	v52 =	vld [tilespmem:$0x6F00];
	v2 =	vadd.f32 v48, v2  }
0x1b9: {  	v53 =	vld [tilespmem:$0x6F10];
	v1 =	vadd.f32 v49, v1  }
0x1ba: {  	v54 =	vld [tilespmem:$0x6F80];
	v2 =	vadd.f32 v50, v2  }
0x1bb: {  	v55 =	vld [tilespmem:$0x6F90];
	v1 =	vadd.f32 v51, v1  }
0x1bc: {  	v2 =	vadd.f32 v3, v2;
	v3 =	vld [tilespmem:$0x7000]  }
0x1bd: {  	v56 =	vld [tilespmem:$0x7010];
	v1 =	vadd.f32 v52, v1  }
0x1be: {  	v57 =	vld [tilespmem:$0x7080];
	v2 =	vadd.f32 v53, v2  }
0x1bf: {  	v58 =	vld [tilespmem:$0x7090];
	v1 =	vadd.f32 v54, v1  }
0x1c0: {  	v59 =	vld [tilespmem:$0x7100];
	v2 =	vadd.f32 v55, v2  }
0x1c1: {  	v1 =	vadd.f32 v3, v1;
	v3 =	vld [tilespmem:$0x7110]  }
0x1c2: {  	v60 =	vld [tilespmem:$0x7180];
	v2 =	vadd.f32 v56, v2  }
0x1c3: {  	v61 =	vld [tilespmem:$0x7190];
	v1 =	vadd.f32 v57, v1  }
0x1c4: {  	v62 =	vld [tilespmem:$0x7200];
	v2 =	vadd.f32 v58, v2  }
0x1c5: {  	v63 =	vld [tilespmem:$0x7210];
	v1 =	vadd.f32 v59, v1  }
0x1c6: {  	v2 =	vadd.f32 v3, v2  }
0x1c7: {  	v1 =	vadd.f32 v60, v1  }
0x1c8: {  	v2 =	vadd.f32 v61, v2  }
0x1c9: {  	v1 =	vadd.f32 v62, v1  }
0x1ca: {  	v2 =	vadd.f32 v63, v2  }
0x1cb: {  	v1 =	vmul.f32 $4.882812500e-04, v1  }
0x1cc: {  	v2 =	vmul.f32 $4.882812500e-04, v2  }
0x1cd: {  	v1 =	vmul.f32 $1.442695020e+00, v1  }
0x1ce: {  	v2 =	vmul.f32 $1.442695020e+00, v2  }
0x1cf: {  	(erf) = vpow2.f32 v1  }
0x1d0: {  	(erf) = vpow2.f32 v2;
	_ =	sdelay $0x7  }
0x1d1: {  	v1 =	vpop (erf)  }
0x1d2: {  	v1 =	vadd.f32 $-8.000000110e-01, v1;
	v2 =	vpop (erf)  }
0x1d3: {  	v2 =	vadd.f32 $-8.000000110e-01, v2  }
0x1d4: {  	v1 =	vmul.f32 v1, v1  }
0x1d5: {  	v2 =	vmul.f32 v2, v2  }
0x1d6: {  	(xrf2) =	vadd.scan.msk.f32 $0xffff, v1  }
0x1d7: {  	(xrf2) =	vadd.scan.msk.f32 $0xffff, v2;
	_ =	sdelay $0x8  }
0x1d8: {  	v1, _, _ =	vpop (xrf2)  }
0x1d9: {  	(v2sf) =	vpush v1, $0xF;
	v1, _, _ =	vpop (xrf2)  }
0x1da: {  	(v2sf) =	vpush v1, $0xF;
	_ =	sdelay $0xd  }
0x1db: {  	s19 =	spop (v2sf)  }
0x1dc: {  	s20 =	spop (v2sf)  }
0x1dd: {  	s19 =	sadd.f32 s20, s19;
	_ =	sdelay $0x1  }
0x1de: {  	s19 =	smul.f32 $3.125000000e-02, s19;
	_ =	sdelay $0x1  }
0x1df: {  	v1 =	vmov s19  }
.Ltmp7:
0x1e0: {  	[tilespmem:$0x6A00] =	vst v1;
	(pc) =	sbr.rel .LBB2_9-.Ltmp7, $4  }
0x1e1: {  	[hbm4b:s3+s4] =	stream.linear.scatter [tilespmem:s16], [sflag:$0x2], $0x10, $0x38;
	[tilespmem:$0x7280] =	vst v63  }
0x1e2: {  	_ =	swait.ge [sflag:s12], $0x10  }
0x1e3: {  	[sflag:s12] =	ssyncset.done $0x0  }
0x1e4: {  	[sflag:s12] =	ssyncadd.s32 $0xFFFFFFF0  }
.LBB2_10:
0x1e5: {  	_ =	sfence.sel $0x180000  }
0x1e6: {  	[bflag:$0x0] =	sbarrier.arrive $0xFFFF  }
0x1e7: {  	p0 =	sne.s32 s1, $0x0;
	_ =	strace $0x90000047  }
0x1e8: {  	s0 =	sadd.s32 @!p0 $0x100000, s0;
	[bflag:$0x2] =	sbarrier.arrive $0xFFFF  }
0x1e9: {  	[sflag:s0] =	ssyncadd.tile.s32 @!p0 $0x1;
	_ =	shalt  }
.Lfunc_end2:
_tile_overlayer_lowered:
.L_overlay_start_2:
0x1ea: {  	(tag) =	ssettag $0x2  }
0x1eb: {  	s0 =	rddreg [dreg:$0x0];
	s2 =	stileid.u32  }
0x1ec: {  	s1 =	rddreg [dreg:$0x1];
	p0 =	sne.s32 s2, $0x0  }
0x1ed: {  	s3 =	rddreg [dreg:$0x2];
	[bflag:$0x3] =	sbarrier.arrive $0xFFFF;
	s2 =	simm.s32 @!p0 $0x1C02  }
0x1ee: {  	[timem:s3], [sflag:s2] =	dma.local @!p0 [hbm:s0], s1  }
0x1ef: {  	s0 =	simm.s32 @!p0 $0x2  }
0x1f0: {  	_ =	swait.ge @!p0 [sflag:s0], s1  }
0x1f1: {  	s1 =	ssub.s32 @!p0 $0x0, s1;
	[sflag:s0] =	ssyncset.done @!p0 $0x0  }
0x1f2: {  	[sflag:s0] =	ssyncadd.s32 @!p0 s1  }
0x1f3: {  	[bflag:$0x3] =	sbarrier.arrive $0xFFFF  }
0x1f4: {  	_ =	shalt  }

</sc_bundles>
